<compile_context>
chip_gen: v7x
topology: tpu7x:2x2x1
jax: 0.10.2.dev20260603
libtpu: 0.0.44.dev20260713+nightly
codegen_flags: <defaults>
</compile_context>

<pallas_src>
import functools

import jax
import jax.numpy as jnp
from jax.experimental import pallas as pl
from jax.experimental.pallas import tpu as pltpu
from jax.experimental.pallas import tpu_sc as plsc


_GATHER_WINDOW = 128
_ROW_BLK = 2048
_ROWS_PER_STEP = 64


def _detile2_body(vb, emb, seg, sub, in_ref, out_ref):
    x = in_ref[0]
    f32 = jnp.float32
    eye = jnp.eye(128, dtype=f32)
    dn = (((0,), (0,)), ((), ()))
    for s in range(seg // sub):
        parts = []
        for k in range(8):
            c0 = k * seg + s * sub
            c1 = c0 + sub
            if c1 <= vb:
                parts.append(x[:, c0:c1])
            elif c0 < vb:
                parts.append(jnp.concatenate(
                    [x[:, c0:vb], jnp.zeros((emb, c1 - vb), x.dtype)], axis=1))
            else:
                parts.append(jnp.zeros((emb, sub), x.dtype))
        xs = jnp.concatenate(parts, axis=0)
        out_ref[s * sub:(s + 1) * sub, :] = jax.lax.dot_general(
            xs, eye, dn, preferred_element_type=f32)


def _tc_detile2(tables_t, nf, emb):
    _, _, vocab = tables_t.shape
    sub = -(-vocab // 32)
    sub = -(-sub // 8) * 8
    seg = sub * 4
    return pl.pallas_call(
        functools.partial(_detile2_body, vocab, emb, seg, sub),
        grid=(nf,),
        in_specs=[pl.BlockSpec((1, emb, vocab), lambda f: (f, 0, 0))],
        out_specs=pl.BlockSpec((seg, 128), lambda f: (f, 0)),
        out_shape=jax.ShapeDtypeStruct((nf * seg, 128), tables_t.dtype),
    )(tables_t)


def _sc_gather(flat_tables, idx2d, emb):
    batch, nf = idx2d.shape
    rows = _ROWS_PER_STEP
    flat_per_step = rows * nf
    n_windows = flat_per_step // _GATHER_WINDOW
    assert flat_per_step % _GATHER_WINDOW == 0 and batch % rows == 0
    mesh = plsc.VectorSubcoreMesh(core_axis_name="core", subcore_axis_name="subcore")

    @functools.partial(
        pl.kernel,
        out_type=jax.ShapeDtypeStruct((batch, nf * emb), flat_tables.dtype),
        mesh=mesh,
        scratch_types=[
            pltpu.VMEM((flat_per_step,), jnp.int32),
            pltpu.VMEM((flat_per_step, emb), flat_tables.dtype),
            pltpu.SemaphoreType.DMA,
        ],
        compiler_params=pltpu.CompilerParams(use_tc_tiling_on_sc=False),
    )
    def gather_kernel(tab_hbm, idx_hbm, out_hbm, flat_ref, rows_ref, sem):
        def body(idx_vmem, out_vmem):
            @pl.loop(0, rows)
            def _(r):
                flat_ref[pl.ds(r * nf, 16)] = idx_vmem[r, pl.ds(0, 16)]
                flat_ref[pl.ds(r * nf + (nf - 16), 16)] = idx_vmem[r, pl.ds(nf - 16, 16)]

            copies = [
                pltpu.async_copy(
                    tab_hbm.at[flat_ref.at[pl.ds(w * _GATHER_WINDOW, _GATHER_WINDOW)]],
                    rows_ref.at[pl.ds(w * _GATHER_WINDOW, _GATHER_WINDOW)],
                    sem,
                )
                for w in range(n_windows)
            ]
            for c in copies:
                c.wait()

            @pl.loop(0, rows)
            def _(r):
                for c in range(nf):
                    out_vmem[r, pl.ds(c * emb, emb)] = rows_ref[r * nf + c, pl.ds(0, emb)]

        pltpu.emit_pipeline(
            body,
            grid=(batch // rows,),
            in_specs=[
                pl.BlockSpec((rows, nf), index_map=lambda i: (i, 0))
            ],
            out_specs=[
                pl.BlockSpec((rows, nf * emb), index_map=lambda i: (i, 0))
            ],
            core_axis_name=("core", "subcore"),
            dimension_semantics=(pltpu.PARALLEL,),
        )(idx_hbm, out_hbm)

    return gather_kernel(flat_tables, idx2d)


def _mlp_body(n_res, dense_ref, emb_ref, W1d_ref, W1e_ref, b1_ref,
              W2d_ref, W2e_ref, b2d_ref, b2e_ref, Wfd_ref, Wfe_ref, bf_ref,
              out_ref):
    f32 = jnp.float32
    r_d = dense_ref[...]
    r_e = emb_ref[...]
    for l in range(n_res):
        h = (jnp.dot(r_d, W1d_ref[l], preferred_element_type=f32)
             + jnp.dot(r_e, W1e_ref[l], preferred_element_type=f32)
             + b1_ref[l][None, :])
        h = jnp.maximum(h, 0.0)
        x_d = jnp.dot(h, W2d_ref[l], preferred_element_type=f32) + b2d_ref[l][None, :]
        x_e = jnp.dot(h, W2e_ref[l], preferred_element_type=f32) + b2e_ref[l][None, :]
        r_d = jnp.maximum(x_d + r_d, 0.0)
        r_e = jnp.maximum(x_e + r_e, 0.0)
    logit = (jnp.dot(r_d, Wfd_ref[...], preferred_element_type=f32)
             + jnp.dot(r_e, Wfe_ref[...], preferred_element_type=f32)
             + bf_ref[0, 0])
    out_ref[...] = jax.nn.sigmoid(logit)


def _tc_mlp(dense, emb, W1d, W1e, b1, W2d, W2e, b2d, b2e, Wfd, Wfe, bf2):
    batch, d_dense = dense.shape
    d_emb = emb.shape[1]
    n_res, _, hidden = W1e.shape
    blk = _ROW_BLK
    grid = (batch // blk,)

    def row_map(i):
        return (i, 0)

    def const2(i):
        return (0, 0)

    def const3(i):
        return (0, 0, 0)

    return pl.pallas_call(
        functools.partial(_mlp_body, n_res),
        grid=grid,
        in_specs=[
            pl.BlockSpec((blk, d_dense), row_map),
            pl.BlockSpec((blk, d_emb), row_map),
            pl.BlockSpec((n_res, d_dense, hidden), const3),
            pl.BlockSpec((n_res, d_emb, hidden), const3),
            pl.BlockSpec((n_res, hidden), const2),
            pl.BlockSpec((n_res, hidden, d_dense), const3),
            pl.BlockSpec((n_res, hidden, d_emb), const3),
            pl.BlockSpec((n_res, d_dense), const2),
            pl.BlockSpec((n_res, d_emb), const2),
            pl.BlockSpec((d_dense, 1), const2),
            pl.BlockSpec((d_emb, 1), const2),
            pl.BlockSpec((1, 1), const2),
        ],
        out_specs=pl.BlockSpec((blk, 1), row_map),
        out_shape=jax.ShapeDtypeStruct((batch, 1), jnp.float32),
    )(dense, emb, W1d, W1e, b1, W2d, W2e, b2d, b2e, Wfd, Wfe, bf2)


def kernel(dense_inputs, sparse_inputs, tables, W1, b1, W2, b2, Wf, bf):
    batch, d_dense = dense_inputs.shape
    n_fields = sparse_inputs.shape[1]
    emb = tables.shape[2]

    tables_t = jnp.transpose(tables, (0, 2, 1))
    tab128 = _tc_detile2(tables_t, n_fields, emb)
    seg = tab128.shape[0] // n_fields
    tab_flat = tab128.reshape(tab128.shape[0] * 128 // emb, emb)

    sp = sparse_inputs.astype(jnp.int32)
    offs = (jnp.arange(n_fields, dtype=jnp.int32) * (seg * 8))[None, :]
    idx2d = offs + (sp % seg) * 8 + sp // seg

    emb_cat = _sc_gather(tab_flat, idx2d, emb)

    W1d, W1e = W1[:, :d_dense, :], W1[:, d_dense:, :]
    W2d, W2e = W2[:, :, :d_dense], W2[:, :, d_dense:]
    b2d, b2e = b2[:, :d_dense], b2[:, d_dense:]
    Wfd, Wfe = Wf[:d_dense, :], Wf[d_dense:, :]
    bf2 = bf.reshape(1, 1)

    return _tc_mlp(dense_inputs, emb_cat, W1d, W1e, b1,
                   W2d, W2e, b2d, b2e, Wfd, Wfe, bf2)

# --- scband reference (transcript-rebuilt; emitter-appended) ---
"""Pipeline reference for scband-deep-crossing-24567212933575 (READ-ONLY COPY).

The authoritative reference and input builder live on the scoring server;
editing this copy changes nothing except your own understanding.
"""

import jax, jax.numpy as jnp
import numpy as np

B = 16384
D_DENSE = 13
N_FIELDS = 26
VOCAB = 100000
EMB = 16
DIM_STACK = D_DENSE + N_FIELDS * EMB  # 429
HIDDEN = 256
N_RES = 2


def setup_inputs(seed: int = 0) -> dict:
    key = jax.random.key(seed)
    ks = jax.random.split(key, 8)
    dense_inputs = jax.random.normal(ks[0], (B, D_DENSE), dtype=jnp.float32)
    sparse_inputs = jax.random.randint(ks[1], (B, N_FIELDS), 0, VOCAB, dtype=jnp.int64)
    tables = jax.random.uniform(ks[2], (N_FIELDS, VOCAB, EMB), dtype=jnp.float32, minval=-0.05, maxval=0.05)
    W1 = jax.random.normal(ks[3], (N_RES, DIM_STACK, HIDDEN), dtype=jnp.float32) * 0.05
    b1 = jnp.zeros((N_RES, HIDDEN), dtype=jnp.float32)
    W2 = jax.random.normal(ks[4], (N_RES, HIDDEN, DIM_STACK), dtype=jnp.float32) * 0.05
    b2 = jnp.zeros((N_RES, DIM_STACK), dtype=jnp.float32)
    Wf = jax.random.normal(ks[5], (DIM_STACK, 1), dtype=jnp.float32) * 0.05
    bf = jnp.zeros((1,), dtype=jnp.float32)
    return {
        "dense_inputs": dense_inputs,
        "sparse_inputs": sparse_inputs,
        "tables": tables,
        "W1": W1,
        "b1": b1,
        "W2": W2,
        "b2": b2,
        "Wf": Wf,
        "bf": bf,
    }


def reference(dense_inputs, sparse_inputs, tables, W1, b1, W2, b2, Wf, bf):
    # Per-field embedding lookup, concatenated with dense features
    stack = dense_inputs
    for i in range(N_FIELDS):
        embed_i = jnp.take(tables[i], sparse_inputs[:, i], axis=0)  # [B, EMB]
        stack = jnp.concatenate([stack, embed_i], axis=-1)
    # Residual units
    r = stack
    for l in range(N_RES):
        x = jax.nn.relu(r @ W1[l] + b1[l])
        x = x @ W2[l] + b2[l]
        r = jax.nn.relu(x + r)
    out = jax.nn.sigmoid(r @ Wf + bf)
    return out

if __name__ == "__main__":
    import jax
    _d = setup_inputs()
    print(jax.jit(kernel)(*tuple(_d.values())))

</pallas_src>

<mosaic_0001>
#map = affine_map<(d0, d1) -> (0, 0)>
module attributes {stable_mosaic.version = 14 : i64} {
  func.func @gather_kernel(%arg0: i32, %arg1: i32, %arg2: memref<2602496x16xf32, #tpu.memory_space<hbm>>, %arg3: memref<16384x26xi32, #tpu.memory_space<hbm>>, %arg4: memref<16384x416xf32, #tpu.memory_space<hbm>>, %arg5: memref<1664xi32, #tpu.memory_space<vmem>>, %arg6: memref<1664x16xf32, #tpu.memory_space<vmem>>, %arg7: memref<!tpu.dma_semaphore, #tpu.memory_space<semaphore_mem>>) attributes {dimension_semantics = [#tpu.dimension_semantics<core_parallel>, #tpu.dimension_semantics<subcore_parallel>], iteration_bounds = array<i64: 2, 16>, scalar_prefetch = 0 : i64, scratch_operands = 3 : i64, tpu.core_type = #tpu.core_type<sc_vector_subcore>, window_params = [{transform_indices = #map}, {transform_indices = #map}, {transform_indices = #map}]} {
    %mul3A = arith.constant 1 : i32
    %mul3A_0 = arith.muli %arg1, %mul3A : i32
    %add3A = arith.constant 0 : i32
    %add3A_1 = arith.addi %add3A, %mul3A_0 : i32
    %mul3A_2 = arith.constant 16 : i32
    %mul3A_3 = arith.muli %arg0, %mul3A_2 : i32
    %add3A_4 = arith.addi %add3A_1, %mul3A_3 : i32
    %mul3A_5 = arith.constant 8 : i32
    %mul3A_6 = arith.muli %add3A_4, %mul3A_5 : i32
    "tpu.region"() ({
      %run_scoped3A = memref.alloca() : memref<2x64x26xi32, #tpu.memory_space<vmem>>
      %run_scoped3A_7 = tpu.sem_alloc : memref<2x!tpu.dma_semaphore, #tpu.memory_space<semaphore_mem>>
      %run_scoped3A_8 = memref.alloca() : memref<2x64x416xf32, #tpu.memory_space<vmem>>
      %run_scoped3A_9 = tpu.sem_alloc : memref<2x!tpu.dma_semaphore, #tpu.memory_space<semaphore_mem>>
      %add3A_10 = arith.constant 0 : i32
      %add3A_11 = arith.addi %add3A_10, %mul3A_6 : i32
      %select_n3A = arith.constant true
      %select_n3A_12 = arith.constant 0 : i32
      %select_n3A_13 = arith.constant -1 : i32
      %select_n3A_14 = arith.select %select_n3A, %select_n3A_13, %select_n3A_12 : i32
      %eq3A = arith.constant -1 : i32
      %eq3A_15 = arith.cmpi eq, %select_n3A_14, %eq3A : i32
      %select_n3A_16 = arith.constant 7 : i32
      %select_n3A_17 = arith.select %eq3A_15, %select_n3A_16, %select_n3A_14 : i32
      %add3A_18 = arith.addi %select_n3A_17, %mul3A_6 : i32
      %select_n3A_19 = arith.constant true
      %select_n3A_20 = arith.constant 0 : i32
      %select_n3A_21 = arith.constant 1 : i32
      %select_n3A_22 = arith.select %select_n3A_19, %select_n3A_21, %select_n3A_20 : i32
      %eq3A_23 = arith.constant 8 : i32
      %eq3A_24 = arith.cmpi eq, %select_n3A_22, %eq3A_23 : i32
      %select_n3A_25 = arith.constant 0 : i32
      %select_n3A_26 = arith.select %eq3A_24, %select_n3A_25, %select_n3A_22 : i32
      %add3A_27 = arith.addi %select_n3A_26, %mul3A_6 : i32
      %add3A_28 = arith.constant 1 : i32
      %add3A_29 = arith.addi %select_n3A_26, %add3A_28 : i32
      %select_n3A_30 = arith.constant true
      %select_n3A_31 = arith.select %select_n3A_30, %add3A_29, %select_n3A_26 : i32
      %eq3A_32 = arith.constant 8 : i32
      %eq3A_33 = arith.cmpi eq, %select_n3A_31, %eq3A_32 : i32
      %select_n3A_34 = arith.constant 0 : i32
      %select_n3A_35 = arith.select %eq3A_33, %select_n3A_34, %select_n3A_31 : i32
      %add3A_36 = arith.addi %select_n3A_35, %mul3A_6 : i32
      "tpu.trace_start"() <{level = 10 : i32, message = "ep_initialize_0"}> : () -> ()
      %rem3A = arith.constant 0 : i32
      %rem3A_37 = arith.constant 2 : i32
      %rem3A_38 = arith.remui %rem3A, %rem3A_37 : i32
      %mul3A_39 = arith.constant 64 : i32
      %mul3A_40 = arith.muli %mul3A_39, %add3A_11 : i32
      %dma_start3A = arith.constant 0 : i32
      %dma_start3A_41 = arith.constant 0 : i32
      %dma_start3A_42 = tpu.memref_slice %run_scoped3A[%rem3A_38, %dma_start3A, %dma_start3A_41] : memref<2x64x26xi32, #tpu.memory_space<vmem>> -> memref<1x64x26xi32, #tpu.memory_space<vmem>>
      %dma_start3A_43 = tpu.memref_squeeze %dma_start3A_42 : memref<1x64x26xi32, #tpu.memory_space<vmem>> -> memref<64x26xi32, #tpu.memory_space<vmem>>
      %dma_start3A_44 = arith.constant 0 : i32
      %dma_start3A_45 = tpu.memref_slice %arg3[%mul3A_40, %dma_start3A_44] : memref<16384x26xi32, #tpu.memory_space<hbm>> -> memref<64x26xi32, #tpu.memory_space<hbm>>
      %dma_start3A_46 = tpu.memref_slice %run_scoped3A_7[%rem3A_38] : memref<2x!tpu.dma_semaphore, #tpu.memory_space<semaphore_mem>> -> memref<1x!tpu.dma_semaphore, #tpu.memory_space<semaphore_mem>>
      %dma_start3A_47 = tpu.memref_squeeze %dma_start3A_46 : memref<1x!tpu.dma_semaphore, #tpu.memory_space<semaphore_mem>> -> memref<!tpu.dma_semaphore, #tpu.memory_space<semaphore_mem>>
      %dma_start3A_48 = arith.constant 0 : i32
      %dma_start3A_49 = arith.constant 0 : i32
      %dma_start3A_50 = tpu.memref_slice %run_scoped3A[%rem3A_38, %dma_start3A_48, %dma_start3A_49] : memref<2x64x26xi32, #tpu.memory_space<vmem>> -> memref<1x64x26xi32, #tpu.memory_space<vmem>>
      %dma_start3A_51 = tpu.memref_squeeze %dma_start3A_50 : memref<1x64x26xi32, #tpu.memory_space<vmem>> -> memref<64x26xi32, #tpu.memory_space<vmem>>
      %dma_start3A_52 = arith.constant 0 : i32
      %dma_start3A_53 = tpu.memref_slice %arg3[%mul3A_40, %dma_start3A_52] : memref<16384x26xi32, #tpu.memory_space<hbm>> -> memref<64x26xi32, #tpu.memory_space<hbm>>
      tpu.enqueue_dma source(%dma_start3A_53 : memref<64x26xi32, #tpu.memory_space<hbm>>) target(%dma_start3A_51 : memref<64x26xi32, #tpu.memory_space<vmem>>) target_semaphore(%dma_start3A_47 : memref<!tpu.dma_semaphore, #tpu.memory_space<semaphore_mem>>)
      %add3A_54 = arith.constant 0 : i32
      %add3A_55 = arith.constant 1 : i32
      %add3A_56 = arith.addi %add3A_54, %add3A_55 : i32
      %select_n3A_57 = arith.constant true
      %select_n3A_58 = arith.constant 0 : i32
      %select_n3A_59 = arith.select %select_n3A_57, %add3A_56, %select_n3A_58 : i32
      "tpu.trace_stop"() : () -> ()
      %scan3A = arith.constant 0 : i32
      %scan3A_60 = arith.constant 0 : i32
      %scan3A_61 = arith.constant 0 : i32
      %scan3A_62 = arith.constant 0 : i32
      %scan3A_63 = arith.constant 0 : i32
      %scan3A_64 = arith.constant 8 : i32
      %scan3A_65 = arith.addi %scan3A_63, %scan3A_64 : i32
      %scan3A_66 = arith.constant 1 : i32
      %scan3A_67:5 = scf.for %scan3A_121 = %scan3A_63 to %scan3A_65 step %scan3A_66 iter_args(%scan3A_122 = %select_n3A_59, %scan3A_123 = %scan3A, %scan3A_124 = %scan3A_60, %scan3A_125 = %scan3A_61, %scan3A_126 = %scan3A_62) -> (i32, i32, i32, i32, i32)  : i32 {
        %eq3A_127 = arith.constant 0 : i32
        %eq3A_128 = arith.cmpi eq, %scan3A_121, %eq3A_127 : i32
        %eq3A_129 = arith.constant 7 : i32
        %eq3A_130 = arith.cmpi eq, %scan3A_121, %eq3A_129 : i32
        %add3A_131 = arith.addi %scan3A_126, %mul3A_6 : i32
        %sub3A_132 = arith.constant 1 : i32
        %sub3A_133 = arith.subi %scan3A_126, %sub3A_132 : i32
        %select_n3A_134 = arith.constant true
        %select_n3A_135 = arith.select %select_n3A_134, %sub3A_133, %scan3A_126 : i32
        %eq3A_136 = arith.constant -1 : i32
        %eq3A_137 = arith.cmpi eq, %select_n3A_135, %eq3A_136 : i32
        %select_n3A_138 = arith.constant 7 : i32
        %select_n3A_139 = arith.select %eq3A_137, %select_n3A_138, %select_n3A_135 : i32
        %add3A_140 = arith.addi %select_n3A_139, %mul3A_6 : i32
        %add3A_141 = arith.constant 1 : i32
        %add3A_142 = arith.addi %scan3A_126, %add3A_141 : i32
        %select_n3A_143 = arith.constant true
        %select_n3A_144 = arith.select %select_n3A_143, %add3A_142, %scan3A_126 : i32
        %eq3A_145 = arith.constant 8 : i32
        %eq3A_146 = arith.cmpi eq, %select_n3A_144, %eq3A_145 : i32
        %select_n3A_147 = arith.constant 0 : i32
        %select_n3A_148 = arith.select %eq3A_146, %select_n3A_147, %select_n3A_144 : i32
        %add3A_149 = arith.addi %select_n3A_148, %mul3A_6 : i32
        %add3A_150 = arith.constant 1 : i32
        %add3A_151 = arith.addi %select_n3A_148, %add3A_150 : i32
        %select_n3A_152 = arith.constant true
        %select_n3A_153 = arith.select %select_n3A_152, %add3A_151, %select_n3A_148 : i32
        %eq3A_154 = arith.constant 8 : i32
        %eq3A_155 = arith.cmpi eq, %select_n3A_153, %eq3A_154 : i32
        %select_n3A_156 = arith.constant 0 : i32
        %select_n3A_157 = arith.select %eq3A_155, %select_n3A_156, %select_n3A_153 : i32
        %add3A_158 = arith.addi %select_n3A_157, %mul3A_6 : i32
        %ne3A = arith.cmpi ne, %add3A_131, %add3A_149 : i32
        %or3A = arith.constant false
        %or3A_159 = arith.ori %or3A, %ne3A : i1
        %or3A_160 = arith.constant false
        %or3A_161 = arith.ori %or3A_159, %or3A_160 : i1
        %ge3A = arith.constant 7 : i32
        %ge3A_162 = arith.cmpi sge, %scan3A_121, %ge3A : i32
        %not3A = arith.constant true
        %not3A_163 = arith.xori %ge3A_162, %not3A : i1
        %and3A = arith.andi %or3A_161, %not3A_163 : i1
        %convert_element_type3A = arith.extui %and3A : i1 to i32
        %cond3A = arith.constant 0 : i32
        %cond3A_164 = arith.cmpi ne, %convert_element_type3A, %cond3A : i32
        scf.if %cond3A_164 {
          "tpu.trace_start"() <{level = 10 : i32, message = "ep_copy_in"}> : () -> ()
          %rem3A_491 = arith.constant 2 : i32
          %rem3A_492 = arith.remui %scan3A_122, %rem3A_491 : i32
          %mul3A_493 = arith.constant 64 : i32
          %mul3A_494 = arith.muli %mul3A_493, %add3A_149 : i32
          %dma_start3A_495 = arith.constant 0 : i32
          %dma_start3A_496 = arith.constant 0 : i32
          %dma_start3A_497 = tpu.memref_slice %run_scoped3A[%rem3A_492, %dma_start3A_495, %dma_start3A_496] : memref<2x64x26xi32, #tpu.memory_space<vmem>> -> memref<1x64x26xi32, #tpu.memory_space<vmem>>
          %dma_start3A_498 = tpu.memref_squeeze %dma_start3A_497 : memref<1x64x26xi32, #tpu.memory_space<vmem>> -> memref<64x26xi32, #tpu.memory_space<vmem>>
          %dma_start3A_499 = arith.constant 0 : i32
          %dma_start3A_500 = tpu.memref_slice %arg3[%mul3A_494, %dma_start3A_499] : memref<16384x26xi32, #tpu.memory_space<hbm>> -> memref<64x26xi32, #tpu.memory_space<hbm>>
          %dma_start3A_501 = tpu.memref_slice %run_scoped3A_7[%rem3A_492] : memref<2x!tpu.dma_semaphore, #tpu.memory_space<semaphore_mem>> -> memref<1x!tpu.dma_semaphore, #tpu.memory_space<semaphore_mem>>
          %dma_start3A_502 = tpu.memref_squeeze %dma_start3A_501 : memref<1x!tpu.dma_semaphore, #tpu.memory_space<semaphore_mem>> -> memref<!tpu.dma_semaphore, #tpu.memory_space<semaphore_mem>>
          %dma_start3A_503 = arith.constant 0 : i32
          %dma_start3A_504 = arith.constant 0 : i32
          %dma_start3A_505 = tpu.memref_slice %run_scoped3A[%rem3A_492, %dma_start3A_503, %dma_start3A_504] : memref<2x64x26xi32, #tpu.memory_space<vmem>> -> memref<1x64x26xi32, #tpu.memory_space<vmem>>
          %dma_start3A_506 = tpu.memref_squeeze %dma_start3A_505 : memref<1x64x26xi32, #tpu.memory_space<vmem>> -> memref<64x26xi32, #tpu.memory_space<vmem>>
          %dma_start3A_507 = arith.constant 0 : i32
          %dma_start3A_508 = tpu.memref_slice %arg3[%mul3A_494, %dma_start3A_507] : memref<16384x26xi32, #tpu.memory_space<hbm>> -> memref<64x26xi32, #tpu.memory_space<hbm>>
          tpu.enqueue_dma source(%dma_start3A_508 : memref<64x26xi32, #tpu.memory_space<hbm>>) target(%dma_start3A_506 : memref<64x26xi32, #tpu.memory_space<vmem>>) target_semaphore(%dma_start3A_502 : memref<!tpu.dma_semaphore, #tpu.memory_space<semaphore_mem>>)
          "tpu.trace_stop"() : () -> ()
        } else {
        }
        %and3A_165 = arith.constant true
        %and3A_166 = arith.andi %and3A, %and3A_165 : i1
        %add3A_167 = arith.constant 1 : i32
        %add3A_168 = arith.addi %scan3A_122, %add3A_167 : i32
        %select_n3A_169 = arith.select %and3A_166, %add3A_168, %scan3A_122 : i32
        %ne3A_170 = arith.cmpi ne, %add3A_131, %add3A_149 : i32
        %or3A_171 = arith.constant false
        %or3A_172 = arith.ori %or3A_171, %ne3A_170 : i1
        %or3A_173 = arith.constant false
        %or3A_174 = arith.ori %or3A_172, %or3A_173 : i1
        %ge3A_175 = arith.constant 7 : i32
        %ge3A_176 = arith.cmpi sge, %scan3A_121, %ge3A_175 : i32
        %not3A_177 = arith.constant true
        %not3A_178 = arith.xori %ge3A_176, %not3A_177 : i1
        %and3A_179 = arith.andi %or3A_174, %not3A_178 : i1
        %ne3A_180 = arith.cmpi ne, %add3A_131, %add3A_140 : i32
        %or3A_181 = arith.constant false
        %or3A_182 = arith.ori %or3A_181, %ne3A_180 : i1
        %or3A_183 = arith.constant false
        %or3A_184 = arith.ori %or3A_182, %or3A_183 : i1
        %or3A_185 = arith.ori %or3A_184, %eq3A_128 : i1
        %convert_element_type3A_186 = arith.extui %or3A_185 : i1 to i32
        %cond3A_187 = arith.constant 0 : i32
        %cond3A_188 = arith.cmpi ne, %convert_element_type3A_186, %cond3A_187 : i32
        scf.if %cond3A_188 {
          "tpu.trace_start"() <{level = 10 : i32, message = "ep_wait_in"}> : () -> ()
          %mul3A_491 = arith.constant 64 : i32
          %mul3A_492 = arith.muli %mul3A_491, %add3A_131 : i32
          %rem3A_493 = arith.constant 2 : i32
          %rem3A_494 = arith.remui %scan3A_123, %rem3A_493 : i32
          %dma_wait3A_495 = arith.constant 0 : i32
          %dma_wait3A_496 = arith.constant 0 : i32
          %dma_wait3A_497 = tpu.memref_slice %run_scoped3A[%rem3A_494, %dma_wait3A_495, %dma_wait3A_496] : memref<2x64x26xi32, #tpu.memory_space<vmem>> -> memref<1x64x26xi32, #tpu.memory_space<vmem>>
          %dma_wait3A_498 = tpu.memref_squeeze %dma_wait3A_497 : memref<1x64x26xi32, #tpu.memory_space<vmem>> -> memref<64x26xi32, #tpu.memory_space<vmem>>
          %dma_wait3A_499 = arith.constant 0 : i32
          %dma_wait3A_500 = tpu.memref_slice %arg3[%mul3A_492, %dma_wait3A_499] : memref<16384x26xi32, #tpu.memory_space<hbm>> -> memref<64x26xi32, #tpu.memory_space<hbm>>
          %dma_wait3A_501 = tpu.memref_slice %run_scoped3A_7[%rem3A_494] : memref<2x!tpu.dma_semaphore, #tpu.memory_space<semaphore_mem>> -> memref<1x!tpu.dma_semaphore, #tpu.memory_space<semaphore_mem>>
          %dma_wait3A_502 = tpu.memref_squeeze %dma_wait3A_501 : memref<1x!tpu.dma_semaphore, #tpu.memory_space<semaphore_mem>> -> memref<!tpu.dma_semaphore, #tpu.memory_space<semaphore_mem>>
          %dma_wait3A_503 = arith.constant 0 : i32
          %dma_wait3A_504 = arith.constant 0 : i32
          %dma_wait3A_505 = tpu.memref_slice %run_scoped3A[%rem3A_494, %dma_wait3A_503, %dma_wait3A_504] : memref<2x64x26xi32, #tpu.memory_space<vmem>> -> memref<1x64x26xi32, #tpu.memory_space<vmem>>
          %dma_wait3A_506 = tpu.memref_squeeze %dma_wait3A_505 : memref<1x64x26xi32, #tpu.memory_space<vmem>> -> memref<64x26xi32, #tpu.memory_space<vmem>>
          %dma_wait3A_507 = arith.constant 0 : i32
          %dma_wait3A_508 = tpu.memref_slice %arg3[%mul3A_492, %dma_wait3A_507] : memref<16384x26xi32, #tpu.memory_space<hbm>> -> memref<64x26xi32, #tpu.memory_space<hbm>>
          tpu.wait_dma2 semaphore(%dma_wait3A_502 : memref<!tpu.dma_semaphore, #tpu.memory_space<semaphore_mem>>) src(%dma_wait3A_508 : memref<64x26xi32, #tpu.memory_space<hbm>>) dst(%dma_wait3A_506 : memref<64x26xi32, #tpu.memory_space<vmem>>)
          "tpu.trace_stop"() : () -> ()
        } else {
        }
        %ne3A_189 = arith.cmpi ne, %add3A_131, %add3A_140 : i32
        %or3A_190 = arith.constant false
        %or3A_191 = arith.ori %or3A_190, %ne3A_189 : i1
        %or3A_192 = arith.constant false
        %or3A_193 = arith.ori %or3A_191, %or3A_192 : i1
        %or3A_194 = arith.ori %or3A_193, %eq3A_128 : i1
        %convert_element_type3A_195 = arith.extui %or3A_194 : i1 to i32
        %cond3A_196 = arith.constant 0 : i32
        %cond3A_197 = arith.cmpi ne, %convert_element_type3A_195, %cond3A_196 : i32
        scf.if %cond3A_197 {
        } else {
        }
        %rem3A_198 = arith.constant 2 : i32
        %rem3A_199 = arith.remui %scan3A_123, %rem3A_198 : i32
        %rem3A_200 = arith.constant 2 : i32
        %rem3A_201 = arith.remui %scan3A_124, %rem3A_200 : i32
        "tpu.trace_start"() <{level = 10 : i32, message = "ep_run_kernel"}> : () -> ()
        %scan3A_202 = arith.constant 0 : i32
        %scan3A_203 = arith.constant 64 : i32
        %scan3A_204 = arith.addi %scan3A_202, %scan3A_203 : i32
        %scan3A_205 = arith.constant 1 : i32
        scf.for %scan3A_491 = %scan3A_202 to %scan3A_204 step %scan3A_205  : i32 {
          %mul3A_492 = arith.constant 1 : i32
          %mul3A_493 = arith.muli %scan3A_491, %mul3A_492 : i32
          %add3A_494 = arith.constant 0 : i32
          %add3A_495 = arith.addi %add3A_494, %mul3A_493 : i32
          %get3A = arith.constant 0 : i32
          %get3A_496 = arith.constant 0 : i32
          %get3A_497 = tpu.memref_slice %run_scoped3A[%rem3A_199, %get3A, %get3A_496] : memref<2x64x26xi32, #tpu.memory_space<vmem>> -> memref<1x64x26xi32, #tpu.memory_space<vmem>>
          %get3A_498 = tpu.memref_squeeze %get3A_497 : memref<1x64x26xi32, #tpu.memory_space<vmem>> -> memref<64x26xi32, #tpu.memory_space<vmem>>
          %get3A_499 = arith.index_cast %add3A_495 : i32 to index
          %get3A_500 = arith.constant 0 : index
          %get3A_501 = tpu.vector_load %get3A_498[%get3A_499, %get3A_500] {strides = array<i32>} : memref<64x26xi32, #tpu.memory_space<vmem>>, vector<1x16xi32>,
          %get3A_502 = vector.shape_cast %get3A_501 : vector<1x16xi32> to vector<16xi32>
          %mul3A_503 = arith.constant 26 : i32
          %mul3A_504 = arith.muli %add3A_495, %mul3A_503 : i32
          %swap3A = arith.index_cast %mul3A_504 : i32 to index
          %swap3A_505 = tpu.vector_load %arg5[%swap3A] {strides = array<i32>} : memref<1664xi32, #tpu.memory_space<vmem>>, vector<16xi32>,
          %swap3A_506 = vector.shape_cast %swap3A_505 : vector<16xi32> to vector<16xi32>
          %swap3A_507 = vector.shape_cast %get3A_502 : vector<16xi32> to vector<16xi32>
          tpu.vector_store %arg5[%swap3A], %swap3A_507 {strides = array<i32>} : memref<1664xi32, #tpu.memory_space<vmem>>, vector<16xi32>,
          %get3A_508 = arith.constant 0 : i32
          %get3A_509 = arith.constant 0 : i32
          %get3A_510 = tpu.memref_slice %run_scoped3A[%rem3A_199, %get3A_508, %get3A_509] : memref<2x64x26xi32, #tpu.memory_space<vmem>> -> memref<1x64x26xi32, #tpu.memory_space<vmem>>
          %get3A_511 = tpu.memref_squeeze %get3A_510 : memref<1x64x26xi32, #tpu.memory_space<vmem>> -> memref<64x26xi32, #tpu.memory_space<vmem>>
          %get3A_512 = arith.index_cast %add3A_495 : i32 to index
          %get3A_513 = arith.constant 10 : index
          %get3A_514 = tpu.vector_load %get3A_511[%get3A_512, %get3A_513] {strides = array<i32>} : memref<64x26xi32, #tpu.memory_space<vmem>>, vector<1x16xi32>,
          %get3A_515 = vector.shape_cast %get3A_514 : vector<1x16xi32> to vector<16xi32>
          %mul3A_516 = arith.constant 26 : i32
          %mul3A_517 = arith.muli %add3A_495, %mul3A_516 : i32
          %add3A_518 = arith.constant 10 : i32
          %add3A_519 = arith.addi %mul3A_517, %add3A_518 : i32
          %swap3A_520 = arith.index_cast %add3A_519 : i32 to index
          %swap3A_521 = tpu.vector_load %arg5[%swap3A_520] {strides = array<i32>} : memref<1664xi32, #tpu.memory_space<vmem>>, vector<16xi32>,
          %swap3A_522 = vector.shape_cast %swap3A_521 : vector<16xi32> to vector<16xi32>
          %swap3A_523 = vector.shape_cast %get3A_515 : vector<16xi32> to vector<16xi32>
          tpu.vector_store %arg5[%swap3A_520], %swap3A_523 {strides = array<i32>} : memref<1664xi32, #tpu.memory_space<vmem>>, vector<16xi32>,
        }
        %scan3A_206 = arith.constant 64 : i32
        %dma_start3A_207 = arith.constant 0 : i32
        %dma_start3A_208 = arith.constant 0 : i32
        %dma_start3A_209 = tpu.memref_slice %arg6[%dma_start3A_207, %dma_start3A_208] : memref<1664x16xf32, #tpu.memory_space<vmem>> -> memref<128x16xf32, #tpu.memory_space<vmem>>
        %dma_start3A_210 = arith.constant 0 : i32
        %dma_start3A_211 = tpu.memref_slice %arg5[%dma_start3A_210] : memref<1664xi32, #tpu.memory_space<vmem>> -> memref<128xi32, #tpu.memory_space<vmem>>
        %dma_start3A_212 = arith.constant 0 : i32
        %dma_start3A_213 = arith.constant 0 : i32
        %dma_start3A_214 = tpu.memref_slice %arg2[%dma_start3A_212, %dma_start3A_213] : memref<2602496x16xf32, #tpu.memory_space<hbm>> -> memref<2602496x16xf32, #tpu.memory_space<hbm>>
        tpu.enqueue_indirect_dma source(%dma_start3A_214 : memref<2602496x16xf32, #tpu.memory_space<hbm>>) target(%dma_start3A_209 : memref<128x16xf32, #tpu.memory_space<vmem>>) offsets(%dma_start3A_211 : memref<128xi32, #tpu.memory_space<vmem>>) semaphore(%arg7 : memref<!tpu.dma_semaphore, #tpu.memory_space<semaphore_mem>>)
        %dma_start3A_215 = arith.constant 128 : i32
        %dma_start3A_216 = arith.constant 0 : i32
        %dma_start3A_217 = tpu.memref_slice %arg6[%dma_start3A_215, %dma_start3A_216] : memref<1664x16xf32, #tpu.memory_space<vmem>> -> memref<128x16xf32, #tpu.memory_space<vmem>>
        %dma_start3A_218 = arith.constant 128 : i32
        %dma_start3A_219 = tpu.memref_slice %arg5[%dma_start3A_218] : memref<1664xi32, #tpu.memory_space<vmem>> -> memref<128xi32, #tpu.memory_space<vmem>>
        %dma_start3A_220 = arith.constant 0 : i32
        %dma_start3A_221 = arith.constant 0 : i32
        %dma_start3A_222 = tpu.memref_slice %arg2[%dma_start3A_220, %dma_start3A_221] : memref<2602496x16xf32, #tpu.memory_space<hbm>> -> memref<2602496x16xf32, #tpu.memory_space<hbm>>
        tpu.enqueue_indirect_dma source(%dma_start3A_222 : memref<2602496x16xf32, #tpu.memory_space<hbm>>) target(%dma_start3A_217 : memref<128x16xf32, #tpu.memory_space<vmem>>) offsets(%dma_start3A_219 : memref<128xi32, #tpu.memory_space<vmem>>) semaphore(%arg7 : memref<!tpu.dma_semaphore, #tpu.memory_space<semaphore_mem>>)
        %dma_start3A_223 = arith.constant 256 : i32
        %dma_start3A_224 = arith.constant 0 : i32
        %dma_start3A_225 = tpu.memref_slice %arg6[%dma_start3A_223, %dma_start3A_224] : memref<1664x16xf32, #tpu.memory_space<vmem>> -> memref<128x16xf32, #tpu.memory_space<vmem>>
        %dma_start3A_226 = arith.constant 256 : i32
        %dma_start3A_227 = tpu.memref_slice %arg5[%dma_start3A_226] : memref<1664xi32, #tpu.memory_space<vmem>> -> memref<128xi32, #tpu.memory_space<vmem>>
        %dma_start3A_228 = arith.constant 0 : i32
        %dma_start3A_229 = arith.constant 0 : i32
        %dma_start3A_230 = tpu.memref_slice %arg2[%dma_start3A_228, %dma_start3A_229] : memref<2602496x16xf32, #tpu.memory_space<hbm>> -> memref<2602496x16xf32, #tpu.memory_space<hbm>>
        tpu.enqueue_indirect_dma source(%dma_start3A_230 : memref<2602496x16xf32, #tpu.memory_space<hbm>>) target(%dma_start3A_225 : memref<128x16xf32, #tpu.memory_space<vmem>>) offsets(%dma_start3A_227 : memref<128xi32, #tpu.memory_space<vmem>>) semaphore(%arg7 : memref<!tpu.dma_semaphore, #tpu.memory_space<semaphore_mem>>)
        %dma_start3A_231 = arith.constant 384 : i32
        %dma_start3A_232 = arith.constant 0 : i32
        %dma_start3A_233 = tpu.memref_slice %arg6[%dma_start3A_231, %dma_start3A_232] : memref<1664x16xf32, #tpu.memory_space<vmem>> -> memref<128x16xf32, #tpu.memory_space<vmem>>
        %dma_start3A_234 = arith.constant 384 : i32
        %dma_start3A_235 = tpu.memref_slice %arg5[%dma_start3A_234] : memref<1664xi32, #tpu.memory_space<vmem>> -> memref<128xi32, #tpu.memory_space<vmem>>
        %dma_start3A_236 = arith.constant 0 : i32
        %dma_start3A_237 = arith.constant 0 : i32
        %dma_start3A_238 = tpu.memref_slice %arg2[%dma_start3A_236, %dma_start3A_237] : memref<2602496x16xf32, #tpu.memory_space<hbm>> -> memref<2602496x16xf32, #tpu.memory_space<hbm>>
        tpu.enqueue_indirect_dma source(%dma_start3A_238 : memref<2602496x16xf32, #tpu.memory_space<hbm>>) target(%dma_start3A_233 : memref<128x16xf32, #tpu.memory_space<vmem>>) offsets(%dma_start3A_235 : memref<128xi32, #tpu.memory_space<vmem>>) semaphore(%arg7 : memref<!tpu.dma_semaphore, #tpu.memory_space<semaphore_mem>>)
        %dma_start3A_239 = arith.constant 512 : i32
        %dma_start3A_240 = arith.constant 0 : i32
        %dma_start3A_241 = tpu.memref_slice %arg6[%dma_start3A_239, %dma_start3A_240] : memref<1664x16xf32, #tpu.memory_space<vmem>> -> memref<128x16xf32, #tpu.memory_space<vmem>>
        %dma_start3A_242 = arith.constant 512 : i32
        %dma_start3A_243 = tpu.memref_slice %arg5[%dma_start3A_242] : memref<1664xi32, #tpu.memory_space<vmem>> -> memref<128xi32, #tpu.memory_space<vmem>>
        %dma_start3A_244 = arith.constant 0 : i32
        %dma_start3A_245 = arith.constant 0 : i32
        %dma_start3A_246 = tpu.memref_slice %arg2[%dma_start3A_244, %dma_start3A_245] : memref<2602496x16xf32, #tpu.memory_space<hbm>> -> memref<2602496x16xf32, #tpu.memory_space<hbm>>
        tpu.enqueue_indirect_dma source(%dma_start3A_246 : memref<2602496x16xf32, #tpu.memory_space<hbm>>) target(%dma_start3A_241 : memref<128x16xf32, #tpu.memory_space<vmem>>) offsets(%dma_start3A_243 : memref<128xi32, #tpu.memory_space<vmem>>) semaphore(%arg7 : memref<!tpu.dma_semaphore, #tpu.memory_space<semaphore_mem>>)
        %dma_start3A_247 = arith.constant 640 : i32
        %dma_start3A_248 = arith.constant 0 : i32
        %dma_start3A_249 = tpu.memref_slice %arg6[%dma_start3A_247, %dma_start3A_248] : memref<1664x16xf32, #tpu.memory_space<vmem>> -> memref<128x16xf32, #tpu.memory_space<vmem>>
        %dma_start3A_250 = arith.constant 640 : i32
        %dma_start3A_251 = tpu.memref_slice %arg5[%dma_start3A_250] : memref<1664xi32, #tpu.memory_space<vmem>> -> memref<128xi32, #tpu.memory_space<vmem>>
        %dma_start3A_252 = arith.constant 0 : i32
        %dma_start3A_253 = arith.constant 0 : i32
        %dma_start3A_254 = tpu.memref_slice %arg2[%dma_start3A_252, %dma_start3A_253] : memref<2602496x16xf32, #tpu.memory_space<hbm>> -> memref<2602496x16xf32, #tpu.memory_space<hbm>>
        tpu.enqueue_indirect_dma source(%dma_start3A_254 : memref<2602496x16xf32, #tpu.memory_space<hbm>>) target(%dma_start3A_249 : memref<128x16xf32, #tpu.memory_space<vmem>>) offsets(%dma_start3A_251 : memref<128xi32, #tpu.memory_space<vmem>>) semaphore(%arg7 : memref<!tpu.dma_semaphore, #tpu.memory_space<semaphore_mem>>)
        %dma_start3A_255 = arith.constant 768 : i32
        %dma_start3A_256 = arith.constant 0 : i32
        %dma_start3A_257 = tpu.memref_slice %arg6[%dma_start3A_255, %dma_start3A_256] : memref<1664x16xf32, #tpu.memory_space<vmem>> -> memref<128x16xf32, #tpu.memory_space<vmem>>
        %dma_start3A_258 = arith.constant 768 : i32
        %dma_start3A_259 = tpu.memref_slice %arg5[%dma_start3A_258] : memref<1664xi32, #tpu.memory_space<vmem>> -> memref<128xi32, #tpu.memory_space<vmem>>
        %dma_start3A_260 = arith.constant 0 : i32
        %dma_start3A_261 = arith.constant 0 : i32
        %dma_start3A_262 = tpu.memref_slice %arg2[%dma_start3A_260, %dma_start3A_261] : memref<2602496x16xf32, #tpu.memory_space<hbm>> -> memref<2602496x16xf32, #tpu.memory_space<hbm>>
        tpu.enqueue_indirect_dma source(%dma_start3A_262 : memref<2602496x16xf32, #tpu.memory_space<hbm>>) target(%dma_start3A_257 : memref<128x16xf32, #tpu.memory_space<vmem>>) offsets(%dma_start3A_259 : memref<128xi32, #tpu.memory_space<vmem>>) semaphore(%arg7 : memref<!tpu.dma_semaphore, #tpu.memory_space<semaphore_mem>>)
        %dma_start3A_263 = arith.constant 896 : i32
        %dma_start3A_264 = arith.constant 0 : i32
        %dma_start3A_265 = tpu.memref_slice %arg6[%dma_start3A_263, %dma_start3A_264] : memref<1664x16xf32, #tpu.memory_space<vmem>> -> memref<128x16xf32, #tpu.memory_space<vmem>>
        %dma_start3A_266 = arith.constant 896 : i32
        %dma_start3A_267 = tpu.memref_slice %arg5[%dma_start3A_266] : memref<1664xi32, #tpu.memory_space<vmem>> -> memref<128xi32, #tpu.memory_space<vmem>>
        %dma_start3A_268 = arith.constant 0 : i32
        %dma_start3A_269 = arith.constant 0 : i32
        %dma_start3A_270 = tpu.memref_slice %arg2[%dma_start3A_268, %dma_start3A_269] : memref<2602496x16xf32, #tpu.memory_space<hbm>> -> memref<2602496x16xf32, #tpu.memory_space<hbm>>
        tpu.enqueue_indirect_dma source(%dma_start3A_270 : memref<2602496x16xf32, #tpu.memory_space<hbm>>) target(%dma_start3A_265 : memref<128x16xf32, #tpu.memory_space<vmem>>) offsets(%dma_start3A_267 : memref<128xi32, #tpu.memory_space<vmem>>) semaphore(%arg7 : memref<!tpu.dma_semaphore, #tpu.memory_space<semaphore_mem>>)
        %dma_start3A_271 = arith.constant 1024 : i32
        %dma_start3A_272 = arith.constant 0 : i32
        %dma_start3A_273 = tpu.memref_slice %arg6[%dma_start3A_271, %dma_start3A_272] : memref<1664x16xf32, #tpu.memory_space<vmem>> -> memref<128x16xf32, #tpu.memory_space<vmem>>
        %dma_start3A_274 = arith.constant 1024 : i32
        %dma_start3A_275 = tpu.memref_slice %arg5[%dma_start3A_274] : memref<1664xi32, #tpu.memory_space<vmem>> -> memref<128xi32, #tpu.memory_space<vmem>>
        %dma_start3A_276 = arith.constant 0 : i32
        %dma_start3A_277 = arith.constant 0 : i32
        %dma_start3A_278 = tpu.memref_slice %arg2[%dma_start3A_276, %dma_start3A_277] : memref<2602496x16xf32, #tpu.memory_space<hbm>> -> memref<2602496x16xf32, #tpu.memory_space<hbm>>
        tpu.enqueue_indirect_dma source(%dma_start3A_278 : memref<2602496x16xf32, #tpu.memory_space<hbm>>) target(%dma_start3A_273 : memref<128x16xf32, #tpu.memory_space<vmem>>) offsets(%dma_start3A_275 : memref<128xi32, #tpu.memory_space<vmem>>) semaphore(%arg7 : memref<!tpu.dma_semaphore, #tpu.memory_space<semaphore_mem>>)
        %dma_start3A_279 = arith.constant 1152 : i32
        %dma_start3A_280 = arith.constant 0 : i32
        %dma_start3A_281 = tpu.memref_slice %arg6[%dma_start3A_279, %dma_start3A_280] : memref<1664x16xf32, #tpu.memory_space<vmem>> -> memref<128x16xf32, #tpu.memory_space<vmem>>
        %dma_start3A_282 = arith.constant 1152 : i32
        %dma_start3A_283 = tpu.memref_slice %arg5[%dma_start3A_282] : memref<1664xi32, #tpu.memory_space<vmem>> -> memref<128xi32, #tpu.memory_space<vmem>>
        %dma_start3A_284 = arith.constant 0 : i32
        %dma_start3A_285 = arith.constant 0 : i32
        %dma_start3A_286 = tpu.memref_slice %arg2[%dma_start3A_284, %dma_start3A_285] : memref<2602496x16xf32, #tpu.memory_space<hbm>> -> memref<2602496x16xf32, #tpu.memory_space<hbm>>
        tpu.enqueue_indirect_dma source(%dma_start3A_286 : memref<2602496x16xf32, #tpu.memory_space<hbm>>) target(%dma_start3A_281 : memref<128x16xf32, #tpu.memory_space<vmem>>) offsets(%dma_start3A_283 : memref<128xi32, #tpu.memory_space<vmem>>) semaphore(%arg7 : memref<!tpu.dma_semaphore, #tpu.memory_space<semaphore_mem>>)
        %dma_start3A_287 = arith.constant 1280 : i32
        %dma_start3A_288 = arith.constant 0 : i32
        %dma_start3A_289 = tpu.memref_slice %arg6[%dma_start3A_287, %dma_start3A_288] : memref<1664x16xf32, #tpu.memory_space<vmem>> -> memref<128x16xf32, #tpu.memory_space<vmem>>
        %dma_start3A_290 = arith.constant 1280 : i32
        %dma_start3A_291 = tpu.memref_slice %arg5[%dma_start3A_290] : memref<1664xi32, #tpu.memory_space<vmem>> -> memref<128xi32, #tpu.memory_space<vmem>>
        %dma_start3A_292 = arith.constant 0 : i32
        %dma_start3A_293 = arith.constant 0 : i32
        %dma_start3A_294 = tpu.memref_slice %arg2[%dma_start3A_292, %dma_start3A_293] : memref<2602496x16xf32, #tpu.memory_space<hbm>> -> memref<2602496x16xf32, #tpu.memory_space<hbm>>
        tpu.enqueue_indirect_dma source(%dma_start3A_294 : memref<2602496x16xf32, #tpu.memory_space<hbm>>) target(%dma_start3A_289 : memref<128x16xf32, #tpu.memory_space<vmem>>) offsets(%dma_start3A_291 : memref<128xi32, #tpu.memory_space<vmem>>) semaphore(%arg7 : memref<!tpu.dma_semaphore, #tpu.memory_space<semaphore_mem>>)
        %dma_start3A_295 = arith.constant 1408 : i32
        %dma_start3A_296 = arith.constant 0 : i32
        %dma_start3A_297 = tpu.memref_slice %arg6[%dma_start3A_295, %dma_start3A_296] : memref<1664x16xf32, #tpu.memory_space<vmem>> -> memref<128x16xf32, #tpu.memory_space<vmem>>
        %dma_start3A_298 = arith.constant 1408 : i32
        %dma_start3A_299 = tpu.memref_slice %arg5[%dma_start3A_298] : memref<1664xi32, #tpu.memory_space<vmem>> -> memref<128xi32, #tpu.memory_space<vmem>>
        %dma_start3A_300 = arith.constant 0 : i32
        %dma_start3A_301 = arith.constant 0 : i32
        %dma_start3A_302 = tpu.memref_slice %arg2[%dma_start3A_300, %dma_start3A_301] : memref<2602496x16xf32, #tpu.memory_space<hbm>> -> memref<2602496x16xf32, #tpu.memory_space<hbm>>
        tpu.enqueue_indirect_dma source(%dma_start3A_302 : memref<2602496x16xf32, #tpu.memory_space<hbm>>) target(%dma_start3A_297 : memref<128x16xf32, #tpu.memory_space<vmem>>) offsets(%dma_start3A_299 : memref<128xi32, #tpu.memory_space<vmem>>) semaphore(%arg7 : memref<!tpu.dma_semaphore, #tpu.memory_space<semaphore_mem>>)
        %dma_start3A_303 = arith.constant 1536 : i32
        %dma_start3A_304 = arith.constant 0 : i32
        %dma_start3A_305 = tpu.memref_slice %arg6[%dma_start3A_303, %dma_start3A_304] : memref<1664x16xf32, #tpu.memory_space<vmem>> -> memref<128x16xf32, #tpu.memory_space<vmem>>
        %dma_start3A_306 = arith.constant 1536 : i32
        %dma_start3A_307 = tpu.memref_slice %arg5[%dma_start3A_306] : memref<1664xi32, #tpu.memory_space<vmem>> -> memref<128xi32, #tpu.memory_space<vmem>>
        %dma_start3A_308 = arith.constant 0 : i32
        %dma_start3A_309 = arith.constant 0 : i32
        %dma_start3A_310 = tpu.memref_slice %arg2[%dma_start3A_308, %dma_start3A_309] : memref<2602496x16xf32, #tpu.memory_space<hbm>> -> memref<2602496x16xf32, #tpu.memory_space<hbm>>
        tpu.enqueue_indirect_dma source(%dma_start3A_310 : memref<2602496x16xf32, #tpu.memory_space<hbm>>) target(%dma_start3A_305 : memref<128x16xf32, #tpu.memory_space<vmem>>) offsets(%dma_start3A_307 : memref<128xi32, #tpu.memory_space<vmem>>) semaphore(%arg7 : memref<!tpu.dma_semaphore, #tpu.memory_space<semaphore_mem>>)
        %dma_wait3A_311 = arith.constant 0 : i32
        %dma_wait3A_312 = arith.constant 0 : i32
        %dma_wait3A_313 = tpu.memref_slice %arg6[%dma_wait3A_311, %dma_wait3A_312] : memref<1664x16xf32, #tpu.memory_space<vmem>> -> memref<128x16xf32, #tpu.memory_space<vmem>>
        %dma_wait3A_314 = arith.constant 0 : i32
        %dma_wait3A_315 = tpu.memref_slice %arg5[%dma_wait3A_314] : memref<1664xi32, #tpu.memory_space<vmem>> -> memref<128xi32, #tpu.memory_space<vmem>>
        %dma_wait3A_316 = arith.constant 0 : i32
        %dma_wait3A_317 = arith.constant 0 : i32
        %dma_wait3A_318 = tpu.memref_slice %arg2[%dma_wait3A_316, %dma_wait3A_317] : memref<2602496x16xf32, #tpu.memory_space<hbm>> -> memref<2602496x16xf32, #tpu.memory_space<hbm>>
        tpu.wait_indirect_dma semaphore(%arg7 : memref<!tpu.dma_semaphore, #tpu.memory_space<semaphore_mem>>) src(%dma_wait3A_318 : memref<2602496x16xf32, #tpu.memory_space<hbm>>) dst(%dma_wait3A_313 : memref<128x16xf32, #tpu.memory_space<vmem>>)
        %dma_wait3A_319 = arith.constant 128 : i32
        %dma_wait3A_320 = arith.constant 0 : i32
        %dma_wait3A_321 = tpu.memref_slice %arg6[%dma_wait3A_319, %dma_wait3A_320] : memref<1664x16xf32, #tpu.memory_space<vmem>> -> memref<128x16xf32, #tpu.memory_space<vmem>>
        %dma_wait3A_322 = arith.constant 128 : i32
        %dma_wait3A_323 = tpu.memref_slice %arg5[%dma_wait3A_322] : memref<1664xi32, #tpu.memory_space<vmem>> -> memref<128xi32, #tpu.memory_space<vmem>>
        %dma_wait3A_324 = arith.constant 0 : i32
        %dma_wait3A_325 = arith.constant 0 : i32
        %dma_wait3A_326 = tpu.memref_slice %arg2[%dma_wait3A_324, %dma_wait3A_325] : memref<2602496x16xf32, #tpu.memory_space<hbm>> -> memref<2602496x16xf32, #tpu.memory_space<hbm>>
        tpu.wait_indirect_dma semaphore(%arg7 : memref<!tpu.dma_semaphore, #tpu.memory_space<semaphore_mem>>) src(%dma_wait3A_326 : memref<2602496x16xf32, #tpu.memory_space<hbm>>) dst(%dma_wait3A_321 : memref<128x16xf32, #tpu.memory_space<vmem>>)
        %dma_wait3A_327 = arith.constant 256 : i32
        %dma_wait3A_328 = arith.constant 0 : i32
        %dma_wait3A_329 = tpu.memref_slice %arg6[%dma_wait3A_327, %dma_wait3A_328] : memref<1664x16xf32, #tpu.memory_space<vmem>> -> memref<128x16xf32, #tpu.memory_space<vmem>>
        %dma_wait3A_330 = arith.constant 256 : i32
        %dma_wait3A_331 = tpu.memref_slice %arg5[%dma_wait3A_330] : memref<1664xi32, #tpu.memory_space<vmem>> -> memref<128xi32, #tpu.memory_space<vmem>>
        %dma_wait3A_332 = arith.constant 0 : i32
        %dma_wait3A_333 = arith.constant 0 : i32
        %dma_wait3A_334 = tpu.memref_slice %arg2[%dma_wait3A_332, %dma_wait3A_333] : memref<2602496x16xf32, #tpu.memory_space<hbm>> -> memref<2602496x16xf32, #tpu.memory_space<hbm>>
        tpu.wait_indirect_dma semaphore(%arg7 : memref<!tpu.dma_semaphore, #tpu.memory_space<semaphore_mem>>) src(%dma_wait3A_334 : memref<2602496x16xf32, #tpu.memory_space<hbm>>) dst(%dma_wait3A_329 : memref<128x16xf32, #tpu.memory_space<vmem>>)
        %dma_wait3A_335 = arith.constant 384 : i32
        %dma_wait3A_336 = arith.constant 0 : i32
        %dma_wait3A_337 = tpu.memref_slice %arg6[%dma_wait3A_335, %dma_wait3A_336] : memref<1664x16xf32, #tpu.memory_space<vmem>> -> memref<128x16xf32, #tpu.memory_space<vmem>>
        %dma_wait3A_338 = arith.constant 384 : i32
        %dma_wait3A_339 = tpu.memref_slice %arg5[%dma_wait3A_338] : memref<1664xi32, #tpu.memory_space<vmem>> -> memref<128xi32, #tpu.memory_space<vmem>>
        %dma_wait3A_340 = arith.constant 0 : i32
        %dma_wait3A_341 = arith.constant 0 : i32
        %dma_wait3A_342 = tpu.memref_slice %arg2[%dma_wait3A_340, %dma_wait3A_341] : memref<2602496x16xf32, #tpu.memory_space<hbm>> -> memref<2602496x16xf32, #tpu.memory_space<hbm>>
        tpu.wait_indirect_dma semaphore(%arg7 : memref<!tpu.dma_semaphore, #tpu.memory_space<semaphore_mem>>) src(%dma_wait3A_342 : memref<2602496x16xf32, #tpu.memory_space<hbm>>) dst(%dma_wait3A_337 : memref<128x16xf32, #tpu.memory_space<vmem>>)
        %dma_wait3A_343 = arith.constant 512 : i32
        %dma_wait3A_344 = arith.constant 0 : i32
        %dma_wait3A_345 = tpu.memref_slice %arg6[%dma_wait3A_343, %dma_wait3A_344] : memref<1664x16xf32, #tpu.memory_space<vmem>> -> memref<128x16xf32, #tpu.memory_space<vmem>>
        %dma_wait3A_346 = arith.constant 512 : i32
        %dma_wait3A_347 = tpu.memref_slice %arg5[%dma_wait3A_346] : memref<1664xi32, #tpu.memory_space<vmem>> -> memref<128xi32, #tpu.memory_space<vmem>>
        %dma_wait3A_348 = arith.constant 0 : i32
        %dma_wait3A_349 = arith.constant 0 : i32
        %dma_wait3A_350 = tpu.memref_slice %arg2[%dma_wait3A_348, %dma_wait3A_349] : memref<2602496x16xf32, #tpu.memory_space<hbm>> -> memref<2602496x16xf32, #tpu.memory_space<hbm>>
        tpu.wait_indirect_dma semaphore(%arg7 : memref<!tpu.dma_semaphore, #tpu.memory_space<semaphore_mem>>) src(%dma_wait3A_350 : memref<2602496x16xf32, #tpu.memory_space<hbm>>) dst(%dma_wait3A_345 : memref<128x16xf32, #tpu.memory_space<vmem>>)
        %dma_wait3A_351 = arith.constant 640 : i32
        %dma_wait3A_352 = arith.constant 0 : i32
        %dma_wait3A_353 = tpu.memref_slice %arg6[%dma_wait3A_351, %dma_wait3A_352] : memref<1664x16xf32, #tpu.memory_space<vmem>> -> memref<128x16xf32, #tpu.memory_space<vmem>>
        %dma_wait3A_354 = arith.constant 640 : i32
        %dma_wait3A_355 = tpu.memref_slice %arg5[%dma_wait3A_354] : memref<1664xi32, #tpu.memory_space<vmem>> -> memref<128xi32, #tpu.memory_space<vmem>>
        %dma_wait3A_356 = arith.constant 0 : i32
        %dma_wait3A_357 = arith.constant 0 : i32
        %dma_wait3A_358 = tpu.memref_slice %arg2[%dma_wait3A_356, %dma_wait3A_357] : memref<2602496x16xf32, #tpu.memory_space<hbm>> -> memref<2602496x16xf32, #tpu.memory_space<hbm>>
        tpu.wait_indirect_dma semaphore(%arg7 : memref<!tpu.dma_semaphore, #tpu.memory_space<semaphore_mem>>) src(%dma_wait3A_358 : memref<2602496x16xf32, #tpu.memory_space<hbm>>) dst(%dma_wait3A_353 : memref<128x16xf32, #tpu.memory_space<vmem>>)
        %dma_wait3A_359 = arith.constant 768 : i32
        %dma_wait3A_360 = arith.constant 0 : i32
        %dma_wait3A_361 = tpu.memref_slice %arg6[%dma_wait3A_359, %dma_wait3A_360] : memref<1664x16xf32, #tpu.memory_space<vmem>> -> memref<128x16xf32, #tpu.memory_space<vmem>>
        %dma_wait3A_362 = arith.constant 768 : i32
        %dma_wait3A_363 = tpu.memref_slice %arg5[%dma_wait3A_362] : memref<1664xi32, #tpu.memory_space<vmem>> -> memref<128xi32, #tpu.memory_space<vmem>>
        %dma_wait3A_364 = arith.constant 0 : i32
        %dma_wait3A_365 = arith.constant 0 : i32
        %dma_wait3A_366 = tpu.memref_slice %arg2[%dma_wait3A_364, %dma_wait3A_365] : memref<2602496x16xf32, #tpu.memory_space<hbm>> -> memref<2602496x16xf32, #tpu.memory_space<hbm>>
        tpu.wait_indirect_dma semaphore(%arg7 : memref<!tpu.dma_semaphore, #tpu.memory_space<semaphore_mem>>) src(%dma_wait3A_366 : memref<2602496x16xf32, #tpu.memory_space<hbm>>) dst(%dma_wait3A_361 : memref<128x16xf32, #tpu.memory_space<vmem>>)
        %dma_wait3A_367 = arith.constant 896 : i32
        %dma_wait3A_368 = arith.constant 0 : i32
        %dma_wait3A_369 = tpu.memref_slice %arg6[%dma_wait3A_367, %dma_wait3A_368] : memref<1664x16xf32, #tpu.memory_space<vmem>> -> memref<128x16xf32, #tpu.memory_space<vmem>>
        %dma_wait3A_370 = arith.constant 896 : i32
        %dma_wait3A_371 = tpu.memref_slice %arg5[%dma_wait3A_370] : memref<1664xi32, #tpu.memory_space<vmem>> -> memref<128xi32, #tpu.memory_space<vmem>>
        %dma_wait3A_372 = arith.constant 0 : i32
        %dma_wait3A_373 = arith.constant 0 : i32
        %dma_wait3A_374 = tpu.memref_slice %arg2[%dma_wait3A_372, %dma_wait3A_373] : memref<2602496x16xf32, #tpu.memory_space<hbm>> -> memref<2602496x16xf32, #tpu.memory_space<hbm>>
        tpu.wait_indirect_dma semaphore(%arg7 : memref<!tpu.dma_semaphore, #tpu.memory_space<semaphore_mem>>) src(%dma_wait3A_374 : memref<2602496x16xf32, #tpu.memory_space<hbm>>) dst(%dma_wait3A_369 : memref<128x16xf32, #tpu.memory_space<vmem>>)
        %dma_wait3A_375 = arith.constant 1024 : i32
        %dma_wait3A_376 = arith.constant 0 : i32
        %dma_wait3A_377 = tpu.memref_slice %arg6[%dma_wait3A_375, %dma_wait3A_376] : memref<1664x16xf32, #tpu.memory_space<vmem>> -> memref<128x16xf32, #tpu.memory_space<vmem>>
        %dma_wait3A_378 = arith.constant 1024 : i32
        %dma_wait3A_379 = tpu.memref_slice %arg5[%dma_wait3A_378] : memref<1664xi32, #tpu.memory_space<vmem>> -> memref<128xi32, #tpu.memory_space<vmem>>
        %dma_wait3A_380 = arith.constant 0 : i32
        %dma_wait3A_381 = arith.constant 0 : i32
        %dma_wait3A_382 = tpu.memref_slice %arg2[%dma_wait3A_380, %dma_wait3A_381] : memref<2602496x16xf32, #tpu.memory_space<hbm>> -> memref<2602496x16xf32, #tpu.memory_space<hbm>>
        tpu.wait_indirect_dma semaphore(%arg7 : memref<!tpu.dma_semaphore, #tpu.memory_space<semaphore_mem>>) src(%dma_wait3A_382 : memref<2602496x16xf32, #tpu.memory_space<hbm>>) dst(%dma_wait3A_377 : memref<128x16xf32, #tpu.memory_space<vmem>>)
        %dma_wait3A_383 = arith.constant 1152 : i32
        %dma_wait3A_384 = arith.constant 0 : i32
        %dma_wait3A_385 = tpu.memref_slice %arg6[%dma_wait3A_383, %dma_wait3A_384] : memref<1664x16xf32, #tpu.memory_space<vmem>> -> memref<128x16xf32, #tpu.memory_space<vmem>>
        %dma_wait3A_386 = arith.constant 1152 : i32
        %dma_wait3A_387 = tpu.memref_slice %arg5[%dma_wait3A_386] : memref<1664xi32, #tpu.memory_space<vmem>> -> memref<128xi32, #tpu.memory_space<vmem>>
        %dma_wait3A_388 = arith.constant 0 : i32
        %dma_wait3A_389 = arith.constant 0 : i32
        %dma_wait3A_390 = tpu.memref_slice %arg2[%dma_wait3A_388, %dma_wait3A_389] : memref<2602496x16xf32, #tpu.memory_space<hbm>> -> memref<2602496x16xf32, #tpu.memory_space<hbm>>
        tpu.wait_indirect_dma semaphore(%arg7 : memref<!tpu.dma_semaphore, #tpu.memory_space<semaphore_mem>>) src(%dma_wait3A_390 : memref<2602496x16xf32, #tpu.memory_space<hbm>>) dst(%dma_wait3A_385 : memref<128x16xf32, #tpu.memory_space<vmem>>)
        %dma_wait3A_391 = arith.constant 1280 : i32
        %dma_wait3A_392 = arith.constant 0 : i32
        %dma_wait3A_393 = tpu.memref_slice %arg6[%dma_wait3A_391, %dma_wait3A_392] : memref<1664x16xf32, #tpu.memory_space<vmem>> -> memref<128x16xf32, #tpu.memory_space<vmem>>
        %dma_wait3A_394 = arith.constant 1280 : i32
        %dma_wait3A_395 = tpu.memref_slice %arg5[%dma_wait3A_394] : memref<1664xi32, #tpu.memory_space<vmem>> -> memref<128xi32, #tpu.memory_space<vmem>>
        %dma_wait3A_396 = arith.constant 0 : i32
        %dma_wait3A_397 = arith.constant 0 : i32
        %dma_wait3A_398 = tpu.memref_slice %arg2[%dma_wait3A_396, %dma_wait3A_397] : memref<2602496x16xf32, #tpu.memory_space<hbm>> -> memref<2602496x16xf32, #tpu.memory_space<hbm>>
        tpu.wait_indirect_dma semaphore(%arg7 : memref<!tpu.dma_semaphore, #tpu.memory_space<semaphore_mem>>) src(%dma_wait3A_398 : memref<2602496x16xf32, #tpu.memory_space<hbm>>) dst(%dma_wait3A_393 : memref<128x16xf32, #tpu.memory_space<vmem>>)
        %dma_wait3A_399 = arith.constant 1408 : i32
        %dma_wait3A_400 = arith.constant 0 : i32
        %dma_wait3A_401 = tpu.memref_slice %arg6[%dma_wait3A_399, %dma_wait3A_400] : memref<1664x16xf32, #tpu.memory_space<vmem>> -> memref<128x16xf32, #tpu.memory_space<vmem>>
        %dma_wait3A_402 = arith.constant 1408 : i32
        %dma_wait3A_403 = tpu.memref_slice %arg5[%dma_wait3A_402] : memref<1664xi32, #tpu.memory_space<vmem>> -> memref<128xi32, #tpu.memory_space<vmem>>
        %dma_wait3A_404 = arith.constant 0 : i32
        %dma_wait3A_405 = arith.constant 0 : i32
        %dma_wait3A_406 = tpu.memref_slice %arg2[%dma_wait3A_404, %dma_wait3A_405] : memref<2602496x16xf32, #tpu.memory_space<hbm>> -> memref<2602496x16xf32, #tpu.memory_space<hbm>>
        tpu.wait_indirect_dma semaphore(%arg7 : memref<!tpu.dma_semaphore, #tpu.memory_space<semaphore_mem>>) src(%dma_wait3A_406 : memref<2602496x16xf32, #tpu.memory_space<hbm>>) dst(%dma_wait3A_401 : memref<128x16xf32, #tpu.memory_space<vmem>>)
        %dma_wait3A_407 = arith.constant 1536 : i32
        %dma_wait3A_408 = arith.constant 0 : i32
        %dma_wait3A_409 = tpu.memref_slice %arg6[%dma_wait3A_407, %dma_wait3A_408] : memref<1664x16xf32, #tpu.memory_space<vmem>> -> memref<128x16xf32, #tpu.memory_space<vmem>>
        %dma_wait3A_410 = arith.constant 1536 : i32
        %dma_wait3A_411 = tpu.memref_slice %arg5[%dma_wait3A_410] : memref<1664xi32, #tpu.memory_space<vmem>> -> memref<128xi32, #tpu.memory_space<vmem>>
        %dma_wait3A_412 = arith.constant 0 : i32
        %dma_wait3A_413 = arith.constant 0 : i32
        %dma_wait3A_414 = tpu.memref_slice %arg2[%dma_wait3A_412, %dma_wait3A_413] : memref<2602496x16xf32, #tpu.memory_space<hbm>> -> memref<2602496x16xf32, #tpu.memory_space<hbm>>
        tpu.wait_indirect_dma semaphore(%arg7 : memref<!tpu.dma_semaphore, #tpu.memory_space<semaphore_mem>>) src(%dma_wait3A_414 : memref<2602496x16xf32, #tpu.memory_space<hbm>>) dst(%dma_wait3A_409 : memref<128x16xf32, #tpu.memory_space<vmem>>)
        %scan3A_415 = arith.constant 0 : i32
        %scan3A_416 = arith.constant 64 : i32
        %scan3A_417 = arith.addi %scan3A_415, %scan3A_416 : i32
        %scan3A_418 = arith.constant 1 : i32
        scf.for %scan3A_491 = %scan3A_415 to %scan3A_417 step %scan3A_418  : i32 {
          %mul3A_492 = arith.constant 1 : i32
          %mul3A_493 = arith.muli %scan3A_491, %mul3A_492 : i32
          %add3A_494 = arith.constant 0 : i32
          %add3A_495 = arith.addi %add3A_494, %mul3A_493 : i32
          %mul3A_496 = arith.constant 26 : i32
          %mul3A_497 = arith.muli %add3A_495, %mul3A_496 : i32
          %add3A_498 = arith.constant 0 : i32
          %add3A_499 = arith.addi %mul3A_497, %add3A_498 : i32
          %get3A = arith.index_cast %add3A_499 : i32 to index
          %get3A_500 = arith.constant 0 : index
          %get3A_501 = tpu.vector_load %arg6[%get3A, %get3A_500] {strides = array<i32>} : memref<1664x16xf32, #tpu.memory_space<vmem>>, vector<1x16xf32>,
          %get3A_502 = vector.shape_cast %get3A_501 : vector<1x16xf32> to vector<16xf32>
          %swap3A = arith.constant 0 : i32
          %swap3A_503 = arith.constant 0 : i32
          %swap3A_504 = tpu.memref_slice %run_scoped3A_8[%rem3A_201, %swap3A, %swap3A_503] : memref<2x64x416xf32, #tpu.memory_space<vmem>> -> memref<1x64x416xf32, #tpu.memory_space<vmem>>
          %swap3A_505 = tpu.memref_squeeze %swap3A_504 : memref<1x64x416xf32, #tpu.memory_space<vmem>> -> memref<64x416xf32, #tpu.memory_space<vmem>>
          %swap3A_506 = arith.index_cast %add3A_495 : i32 to index
          %swap3A_507 = arith.constant 0 : index
          %swap3A_508 = tpu.vector_load %swap3A_505[%swap3A_506, %swap3A_507] {strides = array<i32>} : memref<64x416xf32, #tpu.memory_space<vmem>>, vector<1x16xf32>,
          %swap3A_509 = vector.shape_cast %swap3A_508 : vector<1x16xf32> to vector<16xf32>
          %swap3A_510 = vector.shape_cast %get3A_502 : vector<16xf32> to vector<1x16xf32>
          tpu.vector_store %swap3A_505[%swap3A_506, %swap3A_507], %swap3A_510 {strides = array<i32>} : memref<64x416xf32, #tpu.memory_space<vmem>>, vector<1x16xf32>,
          %mul3A_511 = arith.constant 26 : i32
          %mul3A_512 = arith.muli %add3A_495, %mul3A_511 : i32
          %add3A_513 = arith.constant 1 : i32
          %add3A_514 = arith.addi %mul3A_512, %add3A_513 : i32
          %get3A_515 = arith.index_cast %add3A_514 : i32 to index
          %get3A_516 = arith.constant 0 : index
          %get3A_517 = tpu.vector_load %arg6[%get3A_515, %get3A_516] {strides = array<i32>} : memref<1664x16xf32, #tpu.memory_space<vmem>>, vector<1x16xf32>,
          %get3A_518 = vector.shape_cast %get3A_517 : vector<1x16xf32> to vector<16xf32>
          %swap3A_519 = arith.constant 0 : i32
          %swap3A_520 = arith.constant 0 : i32
          %swap3A_521 = tpu.memref_slice %run_scoped3A_8[%rem3A_201, %swap3A_519, %swap3A_520] : memref<2x64x416xf32, #tpu.memory_space<vmem>> -> memref<1x64x416xf32, #tpu.memory_space<vmem>>
          %swap3A_522 = tpu.memref_squeeze %swap3A_521 : memref<1x64x416xf32, #tpu.memory_space<vmem>> -> memref<64x416xf32, #tpu.memory_space<vmem>>
          %swap3A_523 = arith.index_cast %add3A_495 : i32 to index
          %swap3A_524 = arith.constant 16 : index
          %swap3A_525 = tpu.vector_load %swap3A_522[%swap3A_523, %swap3A_524] {strides = array<i32>} : memref<64x416xf32, #tpu.memory_space<vmem>>, vector<1x16xf32>,
          %swap3A_526 = vector.shape_cast %swap3A_525 : vector<1x16xf32> to vector<16xf32>
          %swap3A_527 = vector.shape_cast %get3A_518 : vector<16xf32> to vector<1x16xf32>
          tpu.vector_store %swap3A_522[%swap3A_523, %swap3A_524], %swap3A_527 {strides = array<i32>} : memref<64x416xf32, #tpu.memory_space<vmem>>, vector<1x16xf32>,
          %mul3A_528 = arith.constant 26 : i32
          %mul3A_529 = arith.muli %add3A_495, %mul3A_528 : i32
          %add3A_530 = arith.constant 2 : i32
          %add3A_531 = arith.addi %mul3A_529, %add3A_530 : i32
          %get3A_532 = arith.index_cast %add3A_531 : i32 to index
          %get3A_533 = arith.constant 0 : index
          %get3A_534 = tpu.vector_load %arg6[%get3A_532, %get3A_533] {strides = array<i32>} : memref<1664x16xf32, #tpu.memory_space<vmem>>, vector<1x16xf32>,
          %get3A_535 = vector.shape_cast %get3A_534 : vector<1x16xf32> to vector<16xf32>
          %swap3A_536 = arith.constant 0 : i32
          %swap3A_537 = arith.constant 0 : i32
          %swap3A_538 = tpu.memref_slice %run_scoped3A_8[%rem3A_201, %swap3A_536, %swap3A_537] : memref<2x64x416xf32, #tpu.memory_space<vmem>> -> memref<1x64x416xf32, #tpu.memory_space<vmem>>
          %swap3A_539 = tpu.memref_squeeze %swap3A_538 : memref<1x64x416xf32, #tpu.memory_space<vmem>> -> memref<64x416xf32, #tpu.memory_space<vmem>>
          %swap3A_540 = arith.index_cast %add3A_495 : i32 to index
          %swap3A_541 = arith.constant 32 : index
          %swap3A_542 = tpu.vector_load %swap3A_539[%swap3A_540, %swap3A_541] {strides = array<i32>} : memref<64x416xf32, #tpu.memory_space<vmem>>, vector<1x16xf32>,
          %swap3A_543 = vector.shape_cast %swap3A_542 : vector<1x16xf32> to vector<16xf32>
          %swap3A_544 = vector.shape_cast %get3A_535 : vector<16xf32> to vector<1x16xf32>
          tpu.vector_store %swap3A_539[%swap3A_540, %swap3A_541], %swap3A_544 {strides = array<i32>} : memref<64x416xf32, #tpu.memory_space<vmem>>, vector<1x16xf32>,
          %mul3A_545 = arith.constant 26 : i32
          %mul3A_546 = arith.muli %add3A_495, %mul3A_545 : i32
          %add3A_547 = arith.constant 3 : i32
          %add3A_548 = arith.addi %mul3A_546, %add3A_547 : i32
          %get3A_549 = arith.index_cast %add3A_548 : i32 to index
          %get3A_550 = arith.constant 0 : index
          %get3A_551 = tpu.vector_load %arg6[%get3A_549, %get3A_550] {strides = array<i32>} : memref<1664x16xf32, #tpu.memory_space<vmem>>, vector<1x16xf32>,
          %get3A_552 = vector.shape_cast %get3A_551 : vector<1x16xf32> to vector<16xf32>
          %swap3A_553 = arith.constant 0 : i32
          %swap3A_554 = arith.constant 0 : i32
          %swap3A_555 = tpu.memref_slice %run_scoped3A_8[%rem3A_201, %swap3A_553, %swap3A_554] : memref<2x64x416xf32, #tpu.memory_space<vmem>> -> memref<1x64x416xf32, #tpu.memory_space<vmem>>
          %swap3A_556 = tpu.memref_squeeze %swap3A_555 : memref<1x64x416xf32, #tpu.memory_space<vmem>> -> memref<64x416xf32, #tpu.memory_space<vmem>>
          %swap3A_557 = arith.index_cast %add3A_495 : i32 to index
          %swap3A_558 = arith.constant 48 : index
          %swap3A_559 = tpu.vector_load %swap3A_556[%swap3A_557, %swap3A_558] {strides = array<i32>} : memref<64x416xf32, #tpu.memory_space<vmem>>, vector<1x16xf32>,
          %swap3A_560 = vector.shape_cast %swap3A_559 : vector<1x16xf32> to vector<16xf32>
          %swap3A_561 = vector.shape_cast %get3A_552 : vector<16xf32> to vector<1x16xf32>
          tpu.vector_store %swap3A_556[%swap3A_557, %swap3A_558], %swap3A_561 {strides = array<i32>} : memref<64x416xf32, #tpu.memory_space<vmem>>, vector<1x16xf32>,
          %mul3A_562 = arith.constant 26 : i32
          %mul3A_563 = arith.muli %add3A_495, %mul3A_562 : i32
          %add3A_564 = arith.constant 4 : i32
          %add3A_565 = arith.addi %mul3A_563, %add3A_564 : i32
          %get3A_566 = arith.index_cast %add3A_565 : i32 to index
          %get3A_567 = arith.constant 0 : index
          %get3A_568 = tpu.vector_load %arg6[%get3A_566, %get3A_567] {strides = array<i32>} : memref<1664x16xf32, #tpu.memory_space<vmem>>, vector<1x16xf32>,
          %get3A_569 = vector.shape_cast %get3A_568 : vector<1x16xf32> to vector<16xf32>
          %swap3A_570 = arith.constant 0 : i32
          %swap3A_571 = arith.constant 0 : i32
          %swap3A_572 = tpu.memref_slice %run_scoped3A_8[%rem3A_201, %swap3A_570, %swap3A_571] : memref<2x64x416xf32, #tpu.memory_space<vmem>> -> memref<1x64x416xf32, #tpu.memory_space<vmem>>
          %swap3A_573 = tpu.memref_squeeze %swap3A_572 : memref<1x64x416xf32, #tpu.memory_space<vmem>> -> memref<64x416xf32, #tpu.memory_space<vmem>>
          %swap3A_574 = arith.index_cast %add3A_495 : i32 to index
          %swap3A_575 = arith.constant 64 : index
          %swap3A_576 = tpu.vector_load %swap3A_573[%swap3A_574, %swap3A_575] {strides = array<i32>} : memref<64x416xf32, #tpu.memory_space<vmem>>, vector<1x16xf32>,
          %swap3A_577 = vector.shape_cast %swap3A_576 : vector<1x16xf32> to vector<16xf32>
          %swap3A_578 = vector.shape_cast %get3A_569 : vector<16xf32> to vector<1x16xf32>
          tpu.vector_store %swap3A_573[%swap3A_574, %swap3A_575], %swap3A_578 {strides = array<i32>} : memref<64x416xf32, #tpu.memory_space<vmem>>, vector<1x16xf32>,
          %mul3A_579 = arith.constant 26 : i32
          %mul3A_580 = arith.muli %add3A_495, %mul3A_579 : i32
          %add3A_581 = arith.constant 5 : i32
          %add3A_582 = arith.addi %mul3A_580, %add3A_581 : i32
          %get3A_583 = arith.index_cast %add3A_582 : i32 to index
          %get3A_584 = arith.constant 0 : index
          %get3A_585 = tpu.vector_load %arg6[%get3A_583, %get3A_584] {strides = array<i32>} : memref<1664x16xf32, #tpu.memory_space<vmem>>, vector<1x16xf32>,
          %get3A_586 = vector.shape_cast %get3A_585 : vector<1x16xf32> to vector<16xf32>
          %swap3A_587 = arith.constant 0 : i32
          %swap3A_588 = arith.constant 0 : i32
          %swap3A_589 = tpu.memref_slice %run_scoped3A_8[%rem3A_201, %swap3A_587, %swap3A_588] : memref<2x64x416xf32, #tpu.memory_space<vmem>> -> memref<1x64x416xf32, #tpu.memory_space<vmem>>
          %swap3A_590 = tpu.memref_squeeze %swap3A_589 : memref<1x64x416xf32, #tpu.memory_space<vmem>> -> memref<64x416xf32, #tpu.memory_space<vmem>>
          %swap3A_591 = arith.index_cast %add3A_495 : i32 to index
          %swap3A_592 = arith.constant 80 : index
          %swap3A_593 = tpu.vector_load %swap3A_590[%swap3A_591, %swap3A_592] {strides = array<i32>} : memref<64x416xf32, #tpu.memory_space<vmem>>, vector<1x16xf32>,
          %swap3A_594 = vector.shape_cast %swap3A_593 : vector<1x16xf32> to vector<16xf32>
          %swap3A_595 = vector.shape_cast %get3A_586 : vector<16xf32> to vector<1x16xf32>
          tpu.vector_store %swap3A_590[%swap3A_591, %swap3A_592], %swap3A_595 {strides = array<i32>} : memref<64x416xf32, #tpu.memory_space<vmem>>, vector<1x16xf32>,
          %mul3A_596 = arith.constant 26 : i32
          %mul3A_597 = arith.muli %add3A_495, %mul3A_596 : i32
          %add3A_598 = arith.constant 6 : i32
          %add3A_599 = arith.addi %mul3A_597, %add3A_598 : i32
          %get3A_600 = arith.index_cast %add3A_599 : i32 to index
          %get3A_601 = arith.constant 0 : index
          %get3A_602 = tpu.vector_load %arg6[%get3A_600, %get3A_601] {strides = array<i32>} : memref<1664x16xf32, #tpu.memory_space<vmem>>, vector<1x16xf32>,
          %get3A_603 = vector.shape_cast %get3A_602 : vector<1x16xf32> to vector<16xf32>
          %swap3A_604 = arith.constant 0 : i32
          %swap3A_605 = arith.constant 0 : i32
          %swap3A_606 = tpu.memref_slice %run_scoped3A_8[%rem3A_201, %swap3A_604, %swap3A_605] : memref<2x64x416xf32, #tpu.memory_space<vmem>> -> memref<1x64x416xf32, #tpu.memory_space<vmem>>
          %swap3A_607 = tpu.memref_squeeze %swap3A_606 : memref<1x64x416xf32, #tpu.memory_space<vmem>> -> memref<64x416xf32, #tpu.memory_space<vmem>>
          %swap3A_608 = arith.index_cast %add3A_495 : i32 to index
          %swap3A_609 = arith.constant 96 : index
          %swap3A_610 = tpu.vector_load %swap3A_607[%swap3A_608, %swap3A_609] {strides = array<i32>} : memref<64x416xf32, #tpu.memory_space<vmem>>, vector<1x16xf32>,
          %swap3A_611 = vector.shape_cast %swap3A_610 : vector<1x16xf32> to vector<16xf32>
          %swap3A_612 = vector.shape_cast %get3A_603 : vector<16xf32> to vector<1x16xf32>
          tpu.vector_store %swap3A_607[%swap3A_608, %swap3A_609], %swap3A_612 {strides = array<i32>} : memref<64x416xf32, #tpu.memory_space<vmem>>, vector<1x16xf32>,
          %mul3A_613 = arith.constant 26 : i32
          %mul3A_614 = arith.muli %add3A_495, %mul3A_613 : i32
          %add3A_615 = arith.constant 7 : i32
          %add3A_616 = arith.addi %mul3A_614, %add3A_615 : i32
          %get3A_617 = arith.index_cast %add3A_616 : i32 to index
          %get3A_618 = arith.constant 0 : index
          %get3A_619 = tpu.vector_load %arg6[%get3A_617, %get3A_618] {strides = array<i32>} : memref<1664x16xf32, #tpu.memory_space<vmem>>, vector<1x16xf32>,
          %get3A_620 = vector.shape_cast %get3A_619 : vector<1x16xf32> to vector<16xf32>
          %swap3A_621 = arith.constant 0 : i32
          %swap3A_622 = arith.constant 0 : i32
          %swap3A_623 = tpu.memref_slice %run_scoped3A_8[%rem3A_201, %swap3A_621, %swap3A_622] : memref<2x64x416xf32, #tpu.memory_space<vmem>> -> memref<1x64x416xf32, #tpu.memory_space<vmem>>
          %swap3A_624 = tpu.memref_squeeze %swap3A_623 : memref<1x64x416xf32, #tpu.memory_space<vmem>> -> memref<64x416xf32, #tpu.memory_space<vmem>>
          %swap3A_625 = arith.index_cast %add3A_495 : i32 to index
          %swap3A_626 = arith.constant 112 : index
          %swap3A_627 = tpu.vector_load %swap3A_624[%swap3A_625, %swap3A_626] {strides = array<i32>} : memref<64x416xf32, #tpu.memory_space<vmem>>, vector<1x16xf32>,
          %swap3A_628 = vector.shape_cast %swap3A_627 : vector<1x16xf32> to vector<16xf32>
          %swap3A_629 = vector.shape_cast %get3A_620 : vector<16xf32> to vector<1x16xf32>
          tpu.vector_store %swap3A_624[%swap3A_625, %swap3A_626], %swap3A_629 {strides = array<i32>} : memref<64x416xf32, #tpu.memory_space<vmem>>, vector<1x16xf32>,
          %mul3A_630 = arith.constant 26 : i32
          %mul3A_631 = arith.muli %add3A_495, %mul3A_630 : i32
          %add3A_632 = arith.constant 8 : i32
          %add3A_633 = arith.addi %mul3A_631, %add3A_632 : i32
          %get3A_634 = arith.index_cast %add3A_633 : i32 to index
          %get3A_635 = arith.constant 0 : index
          %get3A_636 = tpu.vector_load %arg6[%get3A_634, %get3A_635] {strides = array<i32>} : memref<1664x16xf32, #tpu.memory_space<vmem>>, vector<1x16xf32>,
          %get3A_637 = vector.shape_cast %get3A_636 : vector<1x16xf32> to vector<16xf32>
          %swap3A_638 = arith.constant 0 : i32
          %swap3A_639 = arith.constant 0 : i32
          %swap3A_640 = tpu.memref_slice %run_scoped3A_8[%rem3A_201, %swap3A_638, %swap3A_639] : memref<2x64x416xf32, #tpu.memory_space<vmem>> -> memref<1x64x416xf32, #tpu.memory_space<vmem>>
          %swap3A_641 = tpu.memref_squeeze %swap3A_640 : memref<1x64x416xf32, #tpu.memory_space<vmem>> -> memref<64x416xf32, #tpu.memory_space<vmem>>
          %swap3A_642 = arith.index_cast %add3A_495 : i32 to index
          %swap3A_643 = arith.constant 128 : index
          %swap3A_644 = tpu.vector_load %swap3A_641[%swap3A_642, %swap3A_643] {strides = array<i32>} : memref<64x416xf32, #tpu.memory_space<vmem>>, vector<1x16xf32>,
          %swap3A_645 = vector.shape_cast %swap3A_644 : vector<1x16xf32> to vector<16xf32>
          %swap3A_646 = vector.shape_cast %get3A_637 : vector<16xf32> to vector<1x16xf32>
          tpu.vector_store %swap3A_641[%swap3A_642, %swap3A_643], %swap3A_646 {strides = array<i32>} : memref<64x416xf32, #tpu.memory_space<vmem>>, vector<1x16xf32>,
          %mul3A_647 = arith.constant 26 : i32
          %mul3A_648 = arith.muli %add3A_495, %mul3A_647 : i32
          %add3A_649 = arith.constant 9 : i32
          %add3A_650 = arith.addi %mul3A_648, %add3A_649 : i32
          %get3A_651 = arith.index_cast %add3A_650 : i32 to index
          %get3A_652 = arith.constant 0 : index
          %get3A_653 = tpu.vector_load %arg6[%get3A_651, %get3A_652] {strides = array<i32>} : memref<1664x16xf32, #tpu.memory_space<vmem>>, vector<1x16xf32>,
          %get3A_654 = vector.shape_cast %get3A_653 : vector<1x16xf32> to vector<16xf32>
          %swap3A_655 = arith.constant 0 : i32
          %swap3A_656 = arith.constant 0 : i32
          %swap3A_657 = tpu.memref_slice %run_scoped3A_8[%rem3A_201, %swap3A_655, %swap3A_656] : memref<2x64x416xf32, #tpu.memory_space<vmem>> -> memref<1x64x416xf32, #tpu.memory_space<vmem>>
          %swap3A_658 = tpu.memref_squeeze %swap3A_657 : memref<1x64x416xf32, #tpu.memory_space<vmem>> -> memref<64x416xf32, #tpu.memory_space<vmem>>
          %swap3A_659 = arith.index_cast %add3A_495 : i32 to index
          %swap3A_660 = arith.constant 144 : index
          %swap3A_661 = tpu.vector_load %swap3A_658[%swap3A_659, %swap3A_660] {strides = array<i32>} : memref<64x416xf32, #tpu.memory_space<vmem>>, vector<1x16xf32>,
          %swap3A_662 = vector.shape_cast %swap3A_661 : vector<1x16xf32> to vector<16xf32>
          %swap3A_663 = vector.shape_cast %get3A_654 : vector<16xf32> to vector<1x16xf32>
          tpu.vector_store %swap3A_658[%swap3A_659, %swap3A_660], %swap3A_663 {strides = array<i32>} : memref<64x416xf32, #tpu.memory_space<vmem>>, vector<1x16xf32>,
          %mul3A_664 = arith.constant 26 : i32
          %mul3A_665 = arith.muli %add3A_495, %mul3A_664 : i32
          %add3A_666 = arith.constant 10 : i32
          %add3A_667 = arith.addi %mul3A_665, %add3A_666 : i32
          %get3A_668 = arith.index_cast %add3A_667 : i32 to index
          %get3A_669 = arith.constant 0 : index
          %get3A_670 = tpu.vector_load %arg6[%get3A_668, %get3A_669] {strides = array<i32>} : memref<1664x16xf32, #tpu.memory_space<vmem>>, vector<1x16xf32>,
          %get3A_671 = vector.shape_cast %get3A_670 : vector<1x16xf32> to vector<16xf32>
          %swap3A_672 = arith.constant 0 : i32
          %swap3A_673 = arith.constant 0 : i32
          %swap3A_674 = tpu.memref_slice %run_scoped3A_8[%rem3A_201, %swap3A_672, %swap3A_673] : memref<2x64x416xf32, #tpu.memory_space<vmem>> -> memref<1x64x416xf32, #tpu.memory_space<vmem>>
          %swap3A_675 = tpu.memref_squeeze %swap3A_674 : memref<1x64x416xf32, #tpu.memory_space<vmem>> -> memref<64x416xf32, #tpu.memory_space<vmem>>
          %swap3A_676 = arith.index_cast %add3A_495 : i32 to index
          %swap3A_677 = arith.constant 160 : index
          %swap3A_678 = tpu.vector_load %swap3A_675[%swap3A_676, %swap3A_677] {strides = array<i32>} : memref<64x416xf32, #tpu.memory_space<vmem>>, vector<1x16xf32>,
          %swap3A_679 = vector.shape_cast %swap3A_678 : vector<1x16xf32> to vector<16xf32>
          %swap3A_680 = vector.shape_cast %get3A_671 : vector<16xf32> to vector<1x16xf32>
          tpu.vector_store %swap3A_675[%swap3A_676, %swap3A_677], %swap3A_680 {strides = array<i32>} : memref<64x416xf32, #tpu.memory_space<vmem>>, vector<1x16xf32>,
          %mul3A_681 = arith.constant 26 : i32
          %mul3A_682 = arith.muli %add3A_495, %mul3A_681 : i32
          %add3A_683 = arith.constant 11 : i32
          %add3A_684 = arith.addi %mul3A_682, %add3A_683 : i32
          %get3A_685 = arith.index_cast %add3A_684 : i32 to index
          %get3A_686 = arith.constant 0 : index
          %get3A_687 = tpu.vector_load %arg6[%get3A_685, %get3A_686] {strides = array<i32>} : memref<1664x16xf32, #tpu.memory_space<vmem>>, vector<1x16xf32>,
          %get3A_688 = vector.shape_cast %get3A_687 : vector<1x16xf32> to vector<16xf32>
          %swap3A_689 = arith.constant 0 : i32
          %swap3A_690 = arith.constant 0 : i32
          %swap3A_691 = tpu.memref_slice %run_scoped3A_8[%rem3A_201, %swap3A_689, %swap3A_690] : memref<2x64x416xf32, #tpu.memory_space<vmem>> -> memref<1x64x416xf32, #tpu.memory_space<vmem>>
          %swap3A_692 = tpu.memref_squeeze %swap3A_691 : memref<1x64x416xf32, #tpu.memory_space<vmem>> -> memref<64x416xf32, #tpu.memory_space<vmem>>
          %swap3A_693 = arith.index_cast %add3A_495 : i32 to index
          %swap3A_694 = arith.constant 176 : index
          %swap3A_695 = tpu.vector_load %swap3A_692[%swap3A_693, %swap3A_694] {strides = array<i32>} : memref<64x416xf32, #tpu.memory_space<vmem>>, vector<1x16xf32>,
          %swap3A_696 = vector.shape_cast %swap3A_695 : vector<1x16xf32> to vector<16xf32>
          %swap3A_697 = vector.shape_cast %get3A_688 : vector<16xf32> to vector<1x16xf32>
          tpu.vector_store %swap3A_692[%swap3A_693, %swap3A_694], %swap3A_697 {strides = array<i32>} : memref<64x416xf32, #tpu.memory_space<vmem>>, vector<1x16xf32>,
          %mul3A_698 = arith.constant 26 : i32
          %mul3A_699 = arith.muli %add3A_495, %mul3A_698 : i32
          %add3A_700 = arith.constant 12 : i32
          %add3A_701 = arith.addi %mul3A_699, %add3A_700 : i32
          %get3A_702 = arith.index_cast %add3A_701 : i32 to index
          %get3A_703 = arith.constant 0 : index
          %get3A_704 = tpu.vector_load %arg6[%get3A_702, %get3A_703] {strides = array<i32>} : memref<1664x16xf32, #tpu.memory_space<vmem>>, vector<1x16xf32>,
          %get3A_705 = vector.shape_cast %get3A_704 : vector<1x16xf32> to vector<16xf32>
          %swap3A_706 = arith.constant 0 : i32
          %swap3A_707 = arith.constant 0 : i32
          %swap3A_708 = tpu.memref_slice %run_scoped3A_8[%rem3A_201, %swap3A_706, %swap3A_707] : memref<2x64x416xf32, #tpu.memory_space<vmem>> -> memref<1x64x416xf32, #tpu.memory_space<vmem>>
          %swap3A_709 = tpu.memref_squeeze %swap3A_708 : memref<1x64x416xf32, #tpu.memory_space<vmem>> -> memref<64x416xf32, #tpu.memory_space<vmem>>
          %swap3A_710 = arith.index_cast %add3A_495 : i32 to index
          %swap3A_711 = arith.constant 192 : index
          %swap3A_712 = tpu.vector_load %swap3A_709[%swap3A_710, %swap3A_711] {strides = array<i32>} : memref<64x416xf32, #tpu.memory_space<vmem>>, vector<1x16xf32>,
          %swap3A_713 = vector.shape_cast %swap3A_712 : vector<1x16xf32> to vector<16xf32>
          %swap3A_714 = vector.shape_cast %get3A_705 : vector<16xf32> to vector<1x16xf32>
          tpu.vector_store %swap3A_709[%swap3A_710, %swap3A_711], %swap3A_714 {strides = array<i32>} : memref<64x416xf32, #tpu.memory_space<vmem>>, vector<1x16xf32>,
          %mul3A_715 = arith.constant 26 : i32
          %mul3A_716 = arith.muli %add3A_495, %mul3A_715 : i32
          %add3A_717 = arith.constant 13 : i32
          %add3A_718 = arith.addi %mul3A_716, %add3A_717 : i32
          %get3A_719 = arith.index_cast %add3A_718 : i32 to index
          %get3A_720 = arith.constant 0 : index
          %get3A_721 = tpu.vector_load %arg6[%get3A_719, %get3A_720] {strides = array<i32>} : memref<1664x16xf32, #tpu.memory_space<vmem>>, vector<1x16xf32>,
          %get3A_722 = vector.shape_cast %get3A_721 : vector<1x16xf32> to vector<16xf32>
          %swap3A_723 = arith.constant 0 : i32
          %swap3A_724 = arith.constant 0 : i32
          %swap3A_725 = tpu.memref_slice %run_scoped3A_8[%rem3A_201, %swap3A_723, %swap3A_724] : memref<2x64x416xf32, #tpu.memory_space<vmem>> -> memref<1x64x416xf32, #tpu.memory_space<vmem>>
          %swap3A_726 = tpu.memref_squeeze %swap3A_725 : memref<1x64x416xf32, #tpu.memory_space<vmem>> -> memref<64x416xf32, #tpu.memory_space<vmem>>
          %swap3A_727 = arith.index_cast %add3A_495 : i32 to index
          %swap3A_728 = arith.constant 208 : index
          %swap3A_729 = tpu.vector_load %swap3A_726[%swap3A_727, %swap3A_728] {strides = array<i32>} : memref<64x416xf32, #tpu.memory_space<vmem>>, vector<1x16xf32>,
          %swap3A_730 = vector.shape_cast %swap3A_729 : vector<1x16xf32> to vector<16xf32>
          %swap3A_731 = vector.shape_cast %get3A_722 : vector<16xf32> to vector<1x16xf32>
          tpu.vector_store %swap3A_726[%swap3A_727, %swap3A_728], %swap3A_731 {strides = array<i32>} : memref<64x416xf32, #tpu.memory_space<vmem>>, vector<1x16xf32>,
          %mul3A_732 = arith.constant 26 : i32
          %mul3A_733 = arith.muli %add3A_495, %mul3A_732 : i32
          %add3A_734 = arith.constant 14 : i32
          %add3A_735 = arith.addi %mul3A_733, %add3A_734 : i32
          %get3A_736 = arith.index_cast %add3A_735 : i32 to index
          %get3A_737 = arith.constant 0 : index
          %get3A_738 = tpu.vector_load %arg6[%get3A_736, %get3A_737] {strides = array<i32>} : memref<1664x16xf32, #tpu.memory_space<vmem>>, vector<1x16xf32>,
          %get3A_739 = vector.shape_cast %get3A_738 : vector<1x16xf32> to vector<16xf32>
          %swap3A_740 = arith.constant 0 : i32
          %swap3A_741 = arith.constant 0 : i32
          %swap3A_742 = tpu.memref_slice %run_scoped3A_8[%rem3A_201, %swap3A_740, %swap3A_741] : memref<2x64x416xf32, #tpu.memory_space<vmem>> -> memref<1x64x416xf32, #tpu.memory_space<vmem>>
          %swap3A_743 = tpu.memref_squeeze %swap3A_742 : memref<1x64x416xf32, #tpu.memory_space<vmem>> -> memref<64x416xf32, #tpu.memory_space<vmem>>
          %swap3A_744 = arith.index_cast %add3A_495 : i32 to index
          %swap3A_745 = arith.constant 224 : index
          %swap3A_746 = tpu.vector_load %swap3A_743[%swap3A_744, %swap3A_745] {strides = array<i32>} : memref<64x416xf32, #tpu.memory_space<vmem>>, vector<1x16xf32>,
          %swap3A_747 = vector.shape_cast %swap3A_746 : vector<1x16xf32> to vector<16xf32>
          %swap3A_748 = vector.shape_cast %get3A_739 : vector<16xf32> to vector<1x16xf32>
          tpu.vector_store %swap3A_743[%swap3A_744, %swap3A_745], %swap3A_748 {strides = array<i32>} : memref<64x416xf32, #tpu.memory_space<vmem>>, vector<1x16xf32>,
          %mul3A_749 = arith.constant 26 : i32
          %mul3A_750 = arith.muli %add3A_495, %mul3A_749 : i32
          %add3A_751 = arith.constant 15 : i32
          %add3A_752 = arith.addi %mul3A_750, %add3A_751 : i32
          %get3A_753 = arith.index_cast %add3A_752 : i32 to index
          %get3A_754 = arith.constant 0 : index
          %get3A_755 = tpu.vector_load %arg6[%get3A_753, %get3A_754] {strides = array<i32>} : memref<1664x16xf32, #tpu.memory_space<vmem>>, vector<1x16xf32>,
          %get3A_756 = vector.shape_cast %get3A_755 : vector<1x16xf32> to vector<16xf32>
          %swap3A_757 = arith.constant 0 : i32
          %swap3A_758 = arith.constant 0 : i32
          %swap3A_759 = tpu.memref_slice %run_scoped3A_8[%rem3A_201, %swap3A_757, %swap3A_758] : memref<2x64x416xf32, #tpu.memory_space<vmem>> -> memref<1x64x416xf32, #tpu.memory_space<vmem>>
          %swap3A_760 = tpu.memref_squeeze %swap3A_759 : memref<1x64x416xf32, #tpu.memory_space<vmem>> -> memref<64x416xf32, #tpu.memory_space<vmem>>
          %swap3A_761 = arith.index_cast %add3A_495 : i32 to index
          %swap3A_762 = arith.constant 240 : index
          %swap3A_763 = tpu.vector_load %swap3A_760[%swap3A_761, %swap3A_762] {strides = array<i32>} : memref<64x416xf32, #tpu.memory_space<vmem>>, vector<1x16xf32>,
          %swap3A_764 = vector.shape_cast %swap3A_763 : vector<1x16xf32> to vector<16xf32>
          %swap3A_765 = vector.shape_cast %get3A_756 : vector<16xf32> to vector<1x16xf32>
          tpu.vector_store %swap3A_760[%swap3A_761, %swap3A_762], %swap3A_765 {strides = array<i32>} : memref<64x416xf32, #tpu.memory_space<vmem>>, vector<1x16xf32>,
          %mul3A_766 = arith.constant 26 : i32
          %mul3A_767 = arith.muli %add3A_495, %mul3A_766 : i32
          %add3A_768 = arith.constant 16 : i32
          %add3A_769 = arith.addi %mul3A_767, %add3A_768 : i32
          %get3A_770 = arith.index_cast %add3A_769 : i32 to index
          %get3A_771 = arith.constant 0 : index
          %get3A_772 = tpu.vector_load %arg6[%get3A_770, %get3A_771] {strides = array<i32>} : memref<1664x16xf32, #tpu.memory_space<vmem>>, vector<1x16xf32>,
          %get3A_773 = vector.shape_cast %get3A_772 : vector<1x16xf32> to vector<16xf32>
          %swap3A_774 = arith.constant 0 : i32
          %swap3A_775 = arith.constant 0 : i32
          %swap3A_776 = tpu.memref_slice %run_scoped3A_8[%rem3A_201, %swap3A_774, %swap3A_775] : memref<2x64x416xf32, #tpu.memory_space<vmem>> -> memref<1x64x416xf32, #tpu.memory_space<vmem>>
          %swap3A_777 = tpu.memref_squeeze %swap3A_776 : memref<1x64x416xf32, #tpu.memory_space<vmem>> -> memref<64x416xf32, #tpu.memory_space<vmem>>
          %swap3A_778 = arith.index_cast %add3A_495 : i32 to index
          %swap3A_779 = arith.constant 256 : index
          %swap3A_780 = tpu.vector_load %swap3A_777[%swap3A_778, %swap3A_779] {strides = array<i32>} : memref<64x416xf32, #tpu.memory_space<vmem>>, vector<1x16xf32>,
          %swap3A_781 = vector.shape_cast %swap3A_780 : vector<1x16xf32> to vector<16xf32>
          %swap3A_782 = vector.shape_cast %get3A_773 : vector<16xf32> to vector<1x16xf32>
          tpu.vector_store %swap3A_777[%swap3A_778, %swap3A_779], %swap3A_782 {strides = array<i32>} : memref<64x416xf32, #tpu.memory_space<vmem>>, vector<1x16xf32>,
          %mul3A_783 = arith.constant 26 : i32
          %mul3A_784 = arith.muli %add3A_495, %mul3A_783 : i32
          %add3A_785 = arith.constant 17 : i32
          %add3A_786 = arith.addi %mul3A_784, %add3A_785 : i32
          %get3A_787 = arith.index_cast %add3A_786 : i32 to index
          %get3A_788 = arith.constant 0 : index
          %get3A_789 = tpu.vector_load %arg6[%get3A_787, %get3A_788] {strides = array<i32>} : memref<1664x16xf32, #tpu.memory_space<vmem>>, vector<1x16xf32>,
          %get3A_790 = vector.shape_cast %get3A_789 : vector<1x16xf32> to vector<16xf32>
          %swap3A_791 = arith.constant 0 : i32
          %swap3A_792 = arith.constant 0 : i32
          %swap3A_793 = tpu.memref_slice %run_scoped3A_8[%rem3A_201, %swap3A_791, %swap3A_792] : memref<2x64x416xf32, #tpu.memory_space<vmem>> -> memref<1x64x416xf32, #tpu.memory_space<vmem>>
          %swap3A_794 = tpu.memref_squeeze %swap3A_793 : memref<1x64x416xf32, #tpu.memory_space<vmem>> -> memref<64x416xf32, #tpu.memory_space<vmem>>
          %swap3A_795 = arith.index_cast %add3A_495 : i32 to index
          %swap3A_796 = arith.constant 272 : index
          %swap3A_797 = tpu.vector_load %swap3A_794[%swap3A_795, %swap3A_796] {strides = array<i32>} : memref<64x416xf32, #tpu.memory_space<vmem>>, vector<1x16xf32>,
          %swap3A_798 = vector.shape_cast %swap3A_797 : vector<1x16xf32> to vector<16xf32>
          %swap3A_799 = vector.shape_cast %get3A_790 : vector<16xf32> to vector<1x16xf32>
          tpu.vector_store %swap3A_794[%swap3A_795, %swap3A_796], %swap3A_799 {strides = array<i32>} : memref<64x416xf32, #tpu.memory_space<vmem>>, vector<1x16xf32>,
          %mul3A_800 = arith.constant 26 : i32
          %mul3A_801 = arith.muli %add3A_495, %mul3A_800 : i32
          %add3A_802 = arith.constant 18 : i32
          %add3A_803 = arith.addi %mul3A_801, %add3A_802 : i32
          %get3A_804 = arith.index_cast %add3A_803 : i32 to index
          %get3A_805 = arith.constant 0 : index
          %get3A_806 = tpu.vector_load %arg6[%get3A_804, %get3A_805] {strides = array<i32>} : memref<1664x16xf32, #tpu.memory_space<vmem>>, vector<1x16xf32>,
          %get3A_807 = vector.shape_cast %get3A_806 : vector<1x16xf32> to vector<16xf32>
          %swap3A_808 = arith.constant 0 : i32
          %swap3A_809 = arith.constant 0 : i32
          %swap3A_810 = tpu.memref_slice %run_scoped3A_8[%rem3A_201, %swap3A_808, %swap3A_809] : memref<2x64x416xf32, #tpu.memory_space<vmem>> -> memref<1x64x416xf32, #tpu.memory_space<vmem>>
          %swap3A_811 = tpu.memref_squeeze %swap3A_810 : memref<1x64x416xf32, #tpu.memory_space<vmem>> -> memref<64x416xf32, #tpu.memory_space<vmem>>
          %swap3A_812 = arith.index_cast %add3A_495 : i32 to index
          %swap3A_813 = arith.constant 288 : index
          %swap3A_814 = tpu.vector_load %swap3A_811[%swap3A_812, %swap3A_813] {strides = array<i32>} : memref<64x416xf32, #tpu.memory_space<vmem>>, vector<1x16xf32>,
          %swap3A_815 = vector.shape_cast %swap3A_814 : vector<1x16xf32> to vector<16xf32>
          %swap3A_816 = vector.shape_cast %get3A_807 : vector<16xf32> to vector<1x16xf32>
          tpu.vector_store %swap3A_811[%swap3A_812, %swap3A_813], %swap3A_816 {strides = array<i32>} : memref<64x416xf32, #tpu.memory_space<vmem>>, vector<1x16xf32>,
          %mul3A_817 = arith.constant 26 : i32
          %mul3A_818 = arith.muli %add3A_495, %mul3A_817 : i32
          %add3A_819 = arith.constant 19 : i32
          %add3A_820 = arith.addi %mul3A_818, %add3A_819 : i32
          %get3A_821 = arith.index_cast %add3A_820 : i32 to index
          %get3A_822 = arith.constant 0 : index
          %get3A_823 = tpu.vector_load %arg6[%get3A_821, %get3A_822] {strides = array<i32>} : memref<1664x16xf32, #tpu.memory_space<vmem>>, vector<1x16xf32>,
          %get3A_824 = vector.shape_cast %get3A_823 : vector<1x16xf32> to vector<16xf32>
          %swap3A_825 = arith.constant 0 : i32
          %swap3A_826 = arith.constant 0 : i32
          %swap3A_827 = tpu.memref_slice %run_scoped3A_8[%rem3A_201, %swap3A_825, %swap3A_826] : memref<2x64x416xf32, #tpu.memory_space<vmem>> -> memref<1x64x416xf32, #tpu.memory_space<vmem>>
          %swap3A_828 = tpu.memref_squeeze %swap3A_827 : memref<1x64x416xf32, #tpu.memory_space<vmem>> -> memref<64x416xf32, #tpu.memory_space<vmem>>
          %swap3A_829 = arith.index_cast %add3A_495 : i32 to index
          %swap3A_830 = arith.constant 304 : index
          %swap3A_831 = tpu.vector_load %swap3A_828[%swap3A_829, %swap3A_830] {strides = array<i32>} : memref<64x416xf32, #tpu.memory_space<vmem>>, vector<1x16xf32>,
          %swap3A_832 = vector.shape_cast %swap3A_831 : vector<1x16xf32> to vector<16xf32>
          %swap3A_833 = vector.shape_cast %get3A_824 : vector<16xf32> to vector<1x16xf32>
          tpu.vector_store %swap3A_828[%swap3A_829, %swap3A_830], %swap3A_833 {strides = array<i32>} : memref<64x416xf32, #tpu.memory_space<vmem>>, vector<1x16xf32>,
          %mul3A_834 = arith.constant 26 : i32
          %mul3A_835 = arith.muli %add3A_495, %mul3A_834 : i32
          %add3A_836 = arith.constant 20 : i32
          %add3A_837 = arith.addi %mul3A_835, %add3A_836 : i32
          %get3A_838 = arith.index_cast %add3A_837 : i32 to index
          %get3A_839 = arith.constant 0 : index
          %get3A_840 = tpu.vector_load %arg6[%get3A_838, %get3A_839] {strides = array<i32>} : memref<1664x16xf32, #tpu.memory_space<vmem>>, vector<1x16xf32>,
          %get3A_841 = vector.shape_cast %get3A_840 : vector<1x16xf32> to vector<16xf32>
          %swap3A_842 = arith.constant 0 : i32
          %swap3A_843 = arith.constant 0 : i32
          %swap3A_844 = tpu.memref_slice %run_scoped3A_8[%rem3A_201, %swap3A_842, %swap3A_843] : memref<2x64x416xf32, #tpu.memory_space<vmem>> -> memref<1x64x416xf32, #tpu.memory_space<vmem>>
          %swap3A_845 = tpu.memref_squeeze %swap3A_844 : memref<1x64x416xf32, #tpu.memory_space<vmem>> -> memref<64x416xf32, #tpu.memory_space<vmem>>
          %swap3A_846 = arith.index_cast %add3A_495 : i32 to index
          %swap3A_847 = arith.constant 320 : index
          %swap3A_848 = tpu.vector_load %swap3A_845[%swap3A_846, %swap3A_847] {strides = array<i32>} : memref<64x416xf32, #tpu.memory_space<vmem>>, vector<1x16xf32>,
          %swap3A_849 = vector.shape_cast %swap3A_848 : vector<1x16xf32> to vector<16xf32>
          %swap3A_850 = vector.shape_cast %get3A_841 : vector<16xf32> to vector<1x16xf32>
          tpu.vector_store %swap3A_845[%swap3A_846, %swap3A_847], %swap3A_850 {strides = array<i32>} : memref<64x416xf32, #tpu.memory_space<vmem>>, vector<1x16xf32>,
          %mul3A_851 = arith.constant 26 : i32
          %mul3A_852 = arith.muli %add3A_495, %mul3A_851 : i32
          %add3A_853 = arith.constant 21 : i32
          %add3A_854 = arith.addi %mul3A_852, %add3A_853 : i32
          %get3A_855 = arith.index_cast %add3A_854 : i32 to index
          %get3A_856 = arith.constant 0 : index
          %get3A_857 = tpu.vector_load %arg6[%get3A_855, %get3A_856] {strides = array<i32>} : memref<1664x16xf32, #tpu.memory_space<vmem>>, vector<1x16xf32>,
          %get3A_858 = vector.shape_cast %get3A_857 : vector<1x16xf32> to vector<16xf32>
          %swap3A_859 = arith.constant 0 : i32
          %swap3A_860 = arith.constant 0 : i32
          %swap3A_861 = tpu.memref_slice %run_scoped3A_8[%rem3A_201, %swap3A_859, %swap3A_860] : memref<2x64x416xf32, #tpu.memory_space<vmem>> -> memref<1x64x416xf32, #tpu.memory_space<vmem>>
          %swap3A_862 = tpu.memref_squeeze %swap3A_861 : memref<1x64x416xf32, #tpu.memory_space<vmem>> -> memref<64x416xf32, #tpu.memory_space<vmem>>
          %swap3A_863 = arith.index_cast %add3A_495 : i32 to index
          %swap3A_864 = arith.constant 336 : index
          %swap3A_865 = tpu.vector_load %swap3A_862[%swap3A_863, %swap3A_864] {strides = array<i32>} : memref<64x416xf32, #tpu.memory_space<vmem>>, vector<1x16xf32>,
          %swap3A_866 = vector.shape_cast %swap3A_865 : vector<1x16xf32> to vector<16xf32>
          %swap3A_867 = vector.shape_cast %get3A_858 : vector<16xf32> to vector<1x16xf32>
          tpu.vector_store %swap3A_862[%swap3A_863, %swap3A_864], %swap3A_867 {strides = array<i32>} : memref<64x416xf32, #tpu.memory_space<vmem>>, vector<1x16xf32>,
          %mul3A_868 = arith.constant 26 : i32
          %mul3A_869 = arith.muli %add3A_495, %mul3A_868 : i32
          %add3A_870 = arith.constant 22 : i32
          %add3A_871 = arith.addi %mul3A_869, %add3A_870 : i32
          %get3A_872 = arith.index_cast %add3A_871 : i32 to index
          %get3A_873 = arith.constant 0 : index
          %get3A_874 = tpu.vector_load %arg6[%get3A_872, %get3A_873] {strides = array<i32>} : memref<1664x16xf32, #tpu.memory_space<vmem>>, vector<1x16xf32>,
          %get3A_875 = vector.shape_cast %get3A_874 : vector<1x16xf32> to vector<16xf32>
          %swap3A_876 = arith.constant 0 : i32
          %swap3A_877 = arith.constant 0 : i32
          %swap3A_878 = tpu.memref_slice %run_scoped3A_8[%rem3A_201, %swap3A_876, %swap3A_877] : memref<2x64x416xf32, #tpu.memory_space<vmem>> -> memref<1x64x416xf32, #tpu.memory_space<vmem>>
          %swap3A_879 = tpu.memref_squeeze %swap3A_878 : memref<1x64x416xf32, #tpu.memory_space<vmem>> -> memref<64x416xf32, #tpu.memory_space<vmem>>
          %swap3A_880 = arith.index_cast %add3A_495 : i32 to index
          %swap3A_881 = arith.constant 352 : index
          %swap3A_882 = tpu.vector_load %swap3A_879[%swap3A_880, %swap3A_881] {strides = array<i32>} : memref<64x416xf32, #tpu.memory_space<vmem>>, vector<1x16xf32>,
          %swap3A_883 = vector.shape_cast %swap3A_882 : vector<1x16xf32> to vector<16xf32>
          %swap3A_884 = vector.shape_cast %get3A_875 : vector<16xf32> to vector<1x16xf32>
          tpu.vector_store %swap3A_879[%swap3A_880, %swap3A_881], %swap3A_884 {strides = array<i32>} : memref<64x416xf32, #tpu.memory_space<vmem>>, vector<1x16xf32>,
          %mul3A_885 = arith.constant 26 : i32
          %mul3A_886 = arith.muli %add3A_495, %mul3A_885 : i32
          %add3A_887 = arith.constant 23 : i32
          %add3A_888 = arith.addi %mul3A_886, %add3A_887 : i32
          %get3A_889 = arith.index_cast %add3A_888 : i32 to index
          %get3A_890 = arith.constant 0 : index
          %get3A_891 = tpu.vector_load %arg6[%get3A_889, %get3A_890] {strides = array<i32>} : memref<1664x16xf32, #tpu.memory_space<vmem>>, vector<1x16xf32>,
          %get3A_892 = vector.shape_cast %get3A_891 : vector<1x16xf32> to vector<16xf32>
          %swap3A_893 = arith.constant 0 : i32
          %swap3A_894 = arith.constant 0 : i32
          %swap3A_895 = tpu.memref_slice %run_scoped3A_8[%rem3A_201, %swap3A_893, %swap3A_894] : memref<2x64x416xf32, #tpu.memory_space<vmem>> -> memref<1x64x416xf32, #tpu.memory_space<vmem>>
          %swap3A_896 = tpu.memref_squeeze %swap3A_895 : memref<1x64x416xf32, #tpu.memory_space<vmem>> -> memref<64x416xf32, #tpu.memory_space<vmem>>
          %swap3A_897 = arith.index_cast %add3A_495 : i32 to index
          %swap3A_898 = arith.constant 368 : index
          %swap3A_899 = tpu.vector_load %swap3A_896[%swap3A_897, %swap3A_898] {strides = array<i32>} : memref<64x416xf32, #tpu.memory_space<vmem>>, vector<1x16xf32>,
          %swap3A_900 = vector.shape_cast %swap3A_899 : vector<1x16xf32> to vector<16xf32>
          %swap3A_901 = vector.shape_cast %get3A_892 : vector<16xf32> to vector<1x16xf32>
          tpu.vector_store %swap3A_896[%swap3A_897, %swap3A_898], %swap3A_901 {strides = array<i32>} : memref<64x416xf32, #tpu.memory_space<vmem>>, vector<1x16xf32>,
          %mul3A_902 = arith.constant 26 : i32
          %mul3A_903 = arith.muli %add3A_495, %mul3A_902 : i32
          %add3A_904 = arith.constant 24 : i32
          %add3A_905 = arith.addi %mul3A_903, %add3A_904 : i32
          %get3A_906 = arith.index_cast %add3A_905 : i32 to index
          %get3A_907 = arith.constant 0 : index
          %get3A_908 = tpu.vector_load %arg6[%get3A_906, %get3A_907] {strides = array<i32>} : memref<1664x16xf32, #tpu.memory_space<vmem>>, vector<1x16xf32>,
          %get3A_909 = vector.shape_cast %get3A_908 : vector<1x16xf32> to vector<16xf32>
          %swap3A_910 = arith.constant 0 : i32
          %swap3A_911 = arith.constant 0 : i32
          %swap3A_912 = tpu.memref_slice %run_scoped3A_8[%rem3A_201, %swap3A_910, %swap3A_911] : memref<2x64x416xf32, #tpu.memory_space<vmem>> -> memref<1x64x416xf32, #tpu.memory_space<vmem>>
          %swap3A_913 = tpu.memref_squeeze %swap3A_912 : memref<1x64x416xf32, #tpu.memory_space<vmem>> -> memref<64x416xf32, #tpu.memory_space<vmem>>
          %swap3A_914 = arith.index_cast %add3A_495 : i32 to index
          %swap3A_915 = arith.constant 384 : index
          %swap3A_916 = tpu.vector_load %swap3A_913[%swap3A_914, %swap3A_915] {strides = array<i32>} : memref<64x416xf32, #tpu.memory_space<vmem>>, vector<1x16xf32>,
          %swap3A_917 = vector.shape_cast %swap3A_916 : vector<1x16xf32> to vector<16xf32>
          %swap3A_918 = vector.shape_cast %get3A_909 : vector<16xf32> to vector<1x16xf32>
          tpu.vector_store %swap3A_913[%swap3A_914, %swap3A_915], %swap3A_918 {strides = array<i32>} : memref<64x416xf32, #tpu.memory_space<vmem>>, vector<1x16xf32>,
          %mul3A_919 = arith.constant 26 : i32
          %mul3A_920 = arith.muli %add3A_495, %mul3A_919 : i32
          %add3A_921 = arith.constant 25 : i32
          %add3A_922 = arith.addi %mul3A_920, %add3A_921 : i32
          %get3A_923 = arith.index_cast %add3A_922 : i32 to index
          %get3A_924 = arith.constant 0 : index
          %get3A_925 = tpu.vector_load %arg6[%get3A_923, %get3A_924] {strides = array<i32>} : memref<1664x16xf32, #tpu.memory_space<vmem>>, vector<1x16xf32>,
          %get3A_926 = vector.shape_cast %get3A_925 : vector<1x16xf32> to vector<16xf32>
          %swap3A_927 = arith.constant 0 : i32
          %swap3A_928 = arith.constant 0 : i32
          %swap3A_929 = tpu.memref_slice %run_scoped3A_8[%rem3A_201, %swap3A_927, %swap3A_928] : memref<2x64x416xf32, #tpu.memory_space<vmem>> -> memref<1x64x416xf32, #tpu.memory_space<vmem>>
          %swap3A_930 = tpu.memref_squeeze %swap3A_929 : memref<1x64x416xf32, #tpu.memory_space<vmem>> -> memref<64x416xf32, #tpu.memory_space<vmem>>
          %swap3A_931 = arith.index_cast %add3A_495 : i32 to index
          %swap3A_932 = arith.constant 400 : index
          %swap3A_933 = tpu.vector_load %swap3A_930[%swap3A_931, %swap3A_932] {strides = array<i32>} : memref<64x416xf32, #tpu.memory_space<vmem>>, vector<1x16xf32>,
          %swap3A_934 = vector.shape_cast %swap3A_933 : vector<1x16xf32> to vector<16xf32>
          %swap3A_935 = vector.shape_cast %get3A_926 : vector<16xf32> to vector<1x16xf32>
          tpu.vector_store %swap3A_930[%swap3A_931, %swap3A_932], %swap3A_935 {strides = array<i32>} : memref<64x416xf32, #tpu.memory_space<vmem>>, vector<1x16xf32>,
        }
        %scan3A_419 = arith.constant 64 : i32
        "tpu.trace_stop"() : () -> ()
        %ne3A_420 = arith.cmpi ne, %add3A_131, %add3A_149 : i32
        %or3A_421 = arith.constant false
        %or3A_422 = arith.ori %or3A_421, %ne3A_420 : i1
        %or3A_423 = arith.constant false
        %or3A_424 = arith.ori %or3A_422, %or3A_423 : i1
        %or3A_425 = arith.ori %or3A_424, %eq3A_130 : i1
        %convert_element_type3A_426 = arith.extui %or3A_425 : i1 to i32
        %cond3A_427 = arith.constant 0 : i32
        %cond3A_428 = arith.cmpi ne, %convert_element_type3A_426, %cond3A_427 : i32
        scf.if %cond3A_428 {
        } else {
        }
        %and3A_429 = arith.constant false
        %and3A_430 = arith.andi %or3A_425, %and3A_429 : i1
        %ne3A_431 = arith.cmpi ne, %add3A_131, %add3A_149 : i32
        %or3A_432 = arith.constant false
        %or3A_433 = arith.ori %or3A_432, %ne3A_431 : i1
        %or3A_434 = arith.constant false
        %or3A_435 = arith.ori %or3A_433, %or3A_434 : i1
        %or3A_436 = arith.ori %or3A_435, %eq3A_130 : i1
        %convert_element_type3A_437 = arith.extui %or3A_436 : i1 to i32
        %cond3A_438 = arith.constant 0 : i32
        %cond3A_439 = arith.cmpi ne, %convert_element_type3A_437, %cond3A_438 : i32
        scf.if %cond3A_439 {
          "tpu.trace_start"() <{level = 10 : i32, message = "ep_copy_out"}> : () -> ()
          %rem3A_491 = arith.constant 2 : i32
          %rem3A_492 = arith.remui %scan3A_124, %rem3A_491 : i32
          %mul3A_493 = arith.constant 64 : i32
          %mul3A_494 = arith.muli %mul3A_493, %add3A_131 : i32
          %dma_start3A_495 = arith.constant 0 : i32
          %dma_start3A_496 = arith.constant 0 : i32
          %dma_start3A_497 = tpu.memref_slice %run_scoped3A_8[%rem3A_492, %dma_start3A_495, %dma_start3A_496] : memref<2x64x416xf32, #tpu.memory_space<vmem>> -> memref<1x64x416xf32, #tpu.memory_space<vmem>>
          %dma_start3A_498 = tpu.memref_squeeze %dma_start3A_497 : memref<1x64x416xf32, #tpu.memory_space<vmem>> -> memref<64x416xf32, #tpu.memory_space<vmem>>
          %dma_start3A_499 = arith.constant 0 : i32
          %dma_start3A_500 = tpu.memref_slice %arg4[%mul3A_494, %dma_start3A_499] : memref<16384x416xf32, #tpu.memory_space<hbm>> -> memref<64x416xf32, #tpu.memory_space<hbm>>
          %dma_start3A_501 = tpu.memref_slice %run_scoped3A_9[%rem3A_492] : memref<2x!tpu.dma_semaphore, #tpu.memory_space<semaphore_mem>> -> memref<1x!tpu.dma_semaphore, #tpu.memory_space<semaphore_mem>>
          %dma_start3A_502 = tpu.memref_squeeze %dma_start3A_501 : memref<1x!tpu.dma_semaphore, #tpu.memory_space<semaphore_mem>> -> memref<!tpu.dma_semaphore, #tpu.memory_space<semaphore_mem>>
          %dma_start3A_503 = arith.constant 0 : i32
          %dma_start3A_504 = tpu.memref_slice %arg4[%mul3A_494, %dma_start3A_503] : memref<16384x416xf32, #tpu.memory_space<hbm>> -> memref<64x416xf32, #tpu.memory_space<hbm>>
          %dma_start3A_505 = arith.constant 0 : i32
          %dma_start3A_506 = arith.constant 0 : i32
          %dma_start3A_507 = tpu.memref_slice %run_scoped3A_8[%rem3A_492, %dma_start3A_505, %dma_start3A_506] : memref<2x64x416xf32, #tpu.memory_space<vmem>> -> memref<1x64x416xf32, #tpu.memory_space<vmem>>
          %dma_start3A_508 = tpu.memref_squeeze %dma_start3A_507 : memref<1x64x416xf32, #tpu.memory_space<vmem>> -> memref<64x416xf32, #tpu.memory_space<vmem>>
          tpu.enqueue_dma source(%dma_start3A_508 : memref<64x416xf32, #tpu.memory_space<vmem>>) target(%dma_start3A_504 : memref<64x416xf32, #tpu.memory_space<hbm>>) target_semaphore(%dma_start3A_502 : memref<!tpu.dma_semaphore, #tpu.memory_space<semaphore_mem>>)
          "tpu.trace_stop"() : () -> ()
        } else {
        }
        %and3A_440 = arith.constant true
        %and3A_441 = arith.andi %or3A_436, %and3A_440 : i1
        %add3A_442 = arith.constant 1 : i32
        %add3A_443 = arith.addi %scan3A_124, %add3A_442 : i32
        %select_n3A_444 = arith.select %and3A_441, %add3A_443, %scan3A_124 : i32
        %ne3A_445 = arith.cmpi ne, %add3A_131, %add3A_140 : i32
        %or3A_446 = arith.constant false
        %or3A_447 = arith.ori %or3A_446, %ne3A_445 : i1
        %or3A_448 = arith.constant false
        %or3A_449 = arith.ori %or3A_447, %or3A_448 : i1
        %not3A_450 = arith.constant true
        %not3A_451 = arith.xori %eq3A_128, %not3A_450 : i1
        %and3A_452 = arith.andi %or3A_449, %not3A_451 : i1
        %convert_element_type3A_453 = arith.extui %and3A_452 : i1 to i32
        %cond3A_454 = arith.constant 0 : i32
        %cond3A_455 = arith.cmpi ne, %convert_element_type3A_453, %cond3A_454 : i32
        scf.if %cond3A_455 {
        } else {
        }
        %and3A_456 = arith.constant false
        %and3A_457 = arith.andi %and3A_452, %and3A_456 : i1
        %ne3A_458 = arith.cmpi ne, %add3A_131, %add3A_140 : i32
        %or3A_459 = arith.constant false
        %or3A_460 = arith.ori %or3A_459, %ne3A_458 : i1
        %or3A_461 = arith.constant false
        %or3A_462 = arith.ori %or3A_460, %or3A_461 : i1
        %not3A_463 = arith.constant true
        %not3A_464 = arith.xori %eq3A_128, %not3A_463 : i1
        %and3A_465 = arith.andi %or3A_462, %not3A_464 : i1
        %convert_element_type3A_466 = arith.extui %and3A_465 : i1 to i32
        %cond3A_467 = arith.constant 0 : i32
        %cond3A_468 = arith.cmpi ne, %convert_element_type3A_466, %cond3A_467 : i32
        scf.if %cond3A_468 {
          "tpu.trace_start"() <{level = 10 : i32, message = "ep_wait_out"}> : () -> ()
          %rem3A_491 = arith.constant 2 : i32
          %rem3A_492 = arith.remui %scan3A_125, %rem3A_491 : i32
          %mul3A_493 = arith.constant 64 : i32
          %mul3A_494 = arith.muli %mul3A_493, %add3A_140 : i32
          %dma_wait3A_495 = arith.constant 0 : i32
          %dma_wait3A_496 = arith.constant 0 : i32
          %dma_wait3A_497 = tpu.memref_slice %run_scoped3A_8[%rem3A_492, %dma_wait3A_495, %dma_wait3A_496] : memref<2x64x416xf32, #tpu.memory_space<vmem>> -> memref<1x64x416xf32, #tpu.memory_space<vmem>>
          %dma_wait3A_498 = tpu.memref_squeeze %dma_wait3A_497 : memref<1x64x416xf32, #tpu.memory_space<vmem>> -> memref<64x416xf32, #tpu.memory_space<vmem>>
          %dma_wait3A_499 = arith.constant 0 : i32
          %dma_wait3A_500 = tpu.memref_slice %arg4[%mul3A_494, %dma_wait3A_499] : memref<16384x416xf32, #tpu.memory_space<hbm>> -> memref<64x416xf32, #tpu.memory_space<hbm>>
          %dma_wait3A_501 = tpu.memref_slice %run_scoped3A_9[%rem3A_492] : memref<2x!tpu.dma_semaphore, #tpu.memory_space<semaphore_mem>> -> memref<1x!tpu.dma_semaphore, #tpu.memory_space<semaphore_mem>>
          %dma_wait3A_502 = tpu.memref_squeeze %dma_wait3A_501 : memref<1x!tpu.dma_semaphore, #tpu.memory_space<semaphore_mem>> -> memref<!tpu.dma_semaphore, #tpu.memory_space<semaphore_mem>>
          %dma_wait3A_503 = arith.constant 0 : i32
          %dma_wait3A_504 = tpu.memref_slice %arg4[%mul3A_494, %dma_wait3A_503] : memref<16384x416xf32, #tpu.memory_space<hbm>> -> memref<64x416xf32, #tpu.memory_space<hbm>>
          %dma_wait3A_505 = arith.constant 0 : i32
          %dma_wait3A_506 = arith.constant 0 : i32
          %dma_wait3A_507 = tpu.memref_slice %run_scoped3A_8[%rem3A_492, %dma_wait3A_505, %dma_wait3A_506] : memref<2x64x416xf32, #tpu.memory_space<vmem>> -> memref<1x64x416xf32, #tpu.memory_space<vmem>>
          %dma_wait3A_508 = tpu.memref_squeeze %dma_wait3A_507 : memref<1x64x416xf32, #tpu.memory_space<vmem>> -> memref<64x416xf32, #tpu.memory_space<vmem>>
          tpu.wait_dma2 semaphore(%dma_wait3A_502 : memref<!tpu.dma_semaphore, #tpu.memory_space<semaphore_mem>>) src(%dma_wait3A_508 : memref<64x416xf32, #tpu.memory_space<vmem>>) dst(%dma_wait3A_504 : memref<64x416xf32, #tpu.memory_space<hbm>>)
          "tpu.trace_stop"() : () -> ()
        } else {
        }
        %and3A_469 = arith.constant true
        %and3A_470 = arith.andi %and3A_465, %and3A_469 : i1
        %add3A_471 = arith.constant 1 : i32
        %add3A_472 = arith.addi %scan3A_125, %add3A_471 : i32
        %select_n3A_473 = arith.select %and3A_470, %add3A_472, %scan3A_125 : i32
        %ne3A_474 = arith.cmpi ne, %add3A_131, %add3A_149 : i32
        %or3A_475 = arith.constant false
        %or3A_476 = arith.ori %or3A_475, %ne3A_474 : i1
        %or3A_477 = arith.constant false
        %or3A_478 = arith.ori %or3A_476, %or3A_477 : i1
        %or3A_479 = arith.ori %or3A_478, %eq3A_130 : i1
        %add3A_480 = arith.constant 1 : i32
        %add3A_481 = arith.addi %scan3A_123, %add3A_480 : i32
        %select_n3A_482 = arith.select %or3A_479, %add3A_481, %scan3A_123 : i32
        %add3A_483 = arith.constant 1 : i32
        %add3A_484 = arith.addi %scan3A_126, %add3A_483 : i32
        %select_n3A_485 = arith.constant true
        %select_n3A_486 = arith.select %select_n3A_485, %add3A_484, %scan3A_126 : i32
        %eq3A_487 = arith.constant 8 : i32
        %eq3A_488 = arith.cmpi eq, %select_n3A_486, %eq3A_487 : i32
        %select_n3A_489 = arith.constant 0 : i32
        %select_n3A_490 = arith.select %eq3A_488, %select_n3A_489, %select_n3A_486 : i32
        scf.yield %select_n3A_169, %select_n3A_482, %select_n3A_444, %select_n3A_473, %select_n3A_490 : i32, i32, i32, i32, i32
      }
      %scan3A_68 = arith.constant 8 : i32
      %sub3A = arith.constant 1 : i32
      %sub3A_69 = arith.subi %scan3A_67#4, %sub3A : i32
      %select_n3A_70 = arith.constant true
      %select_n3A_71 = arith.select %select_n3A_70, %sub3A_69, %scan3A_67#4 : i32
      %eq3A_72 = arith.constant -1 : i32
      %eq3A_73 = arith.cmpi eq, %select_n3A_71, %eq3A_72 : i32
      %select_n3A_74 = arith.constant 7 : i32
      %select_n3A_75 = arith.select %eq3A_73, %select_n3A_74, %select_n3A_71 : i32
      %add3A_76 = arith.addi %select_n3A_75, %mul3A_6 : i32
      %sub3A_77 = arith.constant 1 : i32
      %sub3A_78 = arith.subi %select_n3A_75, %sub3A_77 : i32
      %select_n3A_79 = arith.constant true
      %select_n3A_80 = arith.select %select_n3A_79, %sub3A_78, %select_n3A_75 : i32
      %eq3A_81 = arith.constant -1 : i32
      %eq3A_82 = arith.cmpi eq, %select_n3A_80, %eq3A_81 : i32
      %select_n3A_83 = arith.constant 7 : i32
      %select_n3A_84 = arith.select %eq3A_82, %select_n3A_83, %select_n3A_80 : i32
      %add3A_85 = arith.addi %select_n3A_84, %mul3A_6 : i32
      %add3A_86 = arith.constant 1 : i32
      %add3A_87 = arith.addi %select_n3A_75, %add3A_86 : i32
      %select_n3A_88 = arith.constant true
      %select_n3A_89 = arith.select %select_n3A_88, %add3A_87, %select_n3A_75 : i32
      %eq3A_90 = arith.constant 8 : i32
      %eq3A_91 = arith.cmpi eq, %select_n3A_89, %eq3A_90 : i32
      %select_n3A_92 = arith.constant 0 : i32
      %select_n3A_93 = arith.select %eq3A_91, %select_n3A_92, %select_n3A_89 : i32
      %add3A_94 = arith.addi %select_n3A_93, %mul3A_6 : i32
      %add3A_95 = arith.constant 1 : i32
      %add3A_96 = arith.addi %select_n3A_93, %add3A_95 : i32
      %select_n3A_97 = arith.constant true
      %select_n3A_98 = arith.select %select_n3A_97, %add3A_96, %select_n3A_93 : i32
      %eq3A_99 = arith.constant 8 : i32
      %eq3A_100 = arith.cmpi eq, %select_n3A_98, %eq3A_99 : i32
      %select_n3A_101 = arith.constant 0 : i32
      %select_n3A_102 = arith.select %eq3A_100, %select_n3A_101, %select_n3A_98 : i32
      %add3A_103 = arith.addi %select_n3A_102, %mul3A_6 : i32
      "tpu.trace_start"() <{level = 10 : i32, message = "ep_finalize"}> : () -> ()
      %rem3A_104 = arith.constant 2 : i32
      %rem3A_105 = arith.remui %scan3A_67#3, %rem3A_104 : i32
      %mul3A_106 = arith.constant 64 : i32
      %mul3A_107 = arith.muli %mul3A_106, %add3A_76 : i32
      %dma_wait3A = arith.constant 0 : i32
      %dma_wait3A_108 = arith.constant 0 : i32
      %dma_wait3A_109 = tpu.memref_slice %run_scoped3A_8[%rem3A_105, %dma_wait3A, %dma_wait3A_108] : memref<2x64x416xf32, #tpu.memory_space<vmem>> -> memref<1x64x416xf32, #tpu.memory_space<vmem>>
      %dma_wait3A_110 = tpu.memref_squeeze %dma_wait3A_109 : memref<1x64x416xf32, #tpu.memory_space<vmem>> -> memref<64x416xf32, #tpu.memory_space<vmem>>
      %dma_wait3A_111 = arith.constant 0 : i32
      %dma_wait3A_112 = tpu.memref_slice %arg4[%mul3A_107, %dma_wait3A_111] : memref<16384x416xf32, #tpu.memory_space<hbm>> -> memref<64x416xf32, #tpu.memory_space<hbm>>
      %dma_wait3A_113 = tpu.memref_slice %run_scoped3A_9[%rem3A_105] : memref<2x!tpu.dma_semaphore, #tpu.memory_space<semaphore_mem>> -> memref<1x!tpu.dma_semaphore, #tpu.memory_space<semaphore_mem>>
      %dma_wait3A_114 = tpu.memref_squeeze %dma_wait3A_113 : memref<1x!tpu.dma_semaphore, #tpu.memory_space<semaphore_mem>> -> memref<!tpu.dma_semaphore, #tpu.memory_space<semaphore_mem>>
      %dma_wait3A_115 = arith.constant 0 : i32
      %dma_wait3A_116 = tpu.memref_slice %arg4[%mul3A_107, %dma_wait3A_115] : memref<16384x416xf32, #tpu.memory_space<hbm>> -> memref<64x416xf32, #tpu.memory_space<hbm>>
      %dma_wait3A_117 = arith.constant 0 : i32
      %dma_wait3A_118 = arith.constant 0 : i32
      %dma_wait3A_119 = tpu.memref_slice %run_scoped3A_8[%rem3A_105, %dma_wait3A_117, %dma_wait3A_118] : memref<2x64x416xf32, #tpu.memory_space<vmem>> -> memref<1x64x416xf32, #tpu.memory_space<vmem>>
      %dma_wait3A_120 = tpu.memref_squeeze %dma_wait3A_119 : memref<1x64x416xf32, #tpu.memory_space<vmem>> -> memref<64x416xf32, #tpu.memory_space<vmem>>
      tpu.wait_dma2 semaphore(%dma_wait3A_114 : memref<!tpu.dma_semaphore, #tpu.memory_space<semaphore_mem>>) src(%dma_wait3A_120 : memref<64x416xf32, #tpu.memory_space<vmem>>) dst(%dma_wait3A_116 : memref<64x416xf32, #tpu.memory_space<hbm>>)
      "tpu.trace_stop"() : () -> ()
      tpu.yield
    }) : () -> ()
    return
  }
}

module attributes {stable_mosaic.version = 14 : i64} {
  func.func @_detile2_body(%arg0: i32, %arg1: memref<1x16x100000xf32, #tpu.memory_space<vmem>>, %arg2: memref<12512x128xf32, #tpu.memory_space<vmem>>) attributes {dimension_semantics = [#tpu.dimension_semantics<arbitrary>], iteration_bounds = array<i64: 26>, scalar_prefetch = 0 : i64, scratch_operands = 0 : i64, tpu.core_type = #tpu.core_type<tc>, window_params = [{transform_indices = @transform_0, window_bounds = array<i64: 1, 16, 100000>}, {transform_indices = @transform_1, window_bounds = array<i64: 12512, 128>}]} {
    %get3A = arith.constant 0 : index
    %get3A_0 = arith.constant 0 : index
    %get3A_1 = arith.constant 0 : index
    %get3A_2 = vector.load %arg1[%get3A, %get3A_0, %get3A_1] : memref<1x16x100000xf32, #tpu.memory_space<vmem>>, vector<1x16x100000xf32>
    %get3A_3 = vector.shape_cast %get3A_2 : vector<1x16x100000xf32> to vector<16x100000xf32>
    %iota3A = tpu.iota {dimensions = array<i32: 0>} : vector<128x128xi32>
    %iota3A_4 = tpu.iota {dimensions = array<i32: 1>} : vector<128x128xi32>
    %add3A = arith.constant 0 : i32
    %add3A_5 = vector.broadcast %add3A : i32 to vector<128x128xi32>
    %add3A_6 = arith.addi %iota3A, %add3A_5 : vector<128x128xi32>
    %eq3A = arith.cmpi eq, %add3A_6, %iota3A_4 : vector<128x128xi32>
    %convert_element_type3A = arith.extui %eq3A : vector<128x128xi1> to vector<128x128xi32>
    %convert_element_type3A_7 = arith.sitofp %convert_element_type3A : vector<128x128xi32> to vector<128x128xf32>
    %slice3A = vector.extract_strided_slice %get3A_3 {offsets = [0, 0], sizes = [16, 3128], strides = [1, 1]} : vector<16x100000xf32> to vector<16x3128xf32>
    %slice3A_8 = vector.extract_strided_slice %get3A_3 {offsets = [0, 12512], sizes = [16, 3128], strides = [1, 1]} : vector<16x100000xf32> to vector<16x3128xf32>
    %slice3A_9 = vector.extract_strided_slice %get3A_3 {offsets = [0, 25024], sizes = [16, 3128], strides = [1, 1]} : vector<16x100000xf32> to vector<16x3128xf32>
    %slice3A_10 = vector.extract_strided_slice %get3A_3 {offsets = [0, 37536], sizes = [16, 3128], strides = [1, 1]} : vector<16x100000xf32> to vector<16x3128xf32>
    %slice3A_11 = vector.extract_strided_slice %get3A_3 {offsets = [0, 50048], sizes = [16, 3128], strides = [1, 1]} : vector<16x100000xf32> to vector<16x3128xf32>
    %slice3A_12 = vector.extract_strided_slice %get3A_3 {offsets = [0, 62560], sizes = [16, 3128], strides = [1, 1]} : vector<16x100000xf32> to vector<16x3128xf32>
    %slice3A_13 = vector.extract_strided_slice %get3A_3 {offsets = [0, 75072], sizes = [16, 3128], strides = [1, 1]} : vector<16x100000xf32> to vector<16x3128xf32>
    %slice3A_14 = vector.extract_strided_slice %get3A_3 {offsets = [0, 87584], sizes = [16, 3128], strides = [1, 1]} : vector<16x100000xf32> to vector<16x3128xf32>
    %concatenate3A = tpu.concatenate %slice3A, %slice3A_8, %slice3A_9, %slice3A_10, %slice3A_11, %slice3A_12, %slice3A_13, %slice3A_14 in 0 : vector<16x3128xf32>, vector<16x3128xf32>, vector<16x3128xf32>, vector<16x3128xf32>, vector<16x3128xf32>, vector<16x3128xf32>, vector<16x3128xf32>, vector<16x3128xf32> -> vector<128x3128xf32>
    %dot_general3A = arith.constant dense<0.000000e+00> : vector<3128x128xf32>
    %dot_general3A_15 = tpu.matmul %concatenate3A, %convert_element_type3A_7, %dot_general3A {dimension_numbers = #tpu.dot_dimension_numbers<[0], [0], [1], [1], [0, 1, 1, 1], [], []>, transpose_lhs_hint = false} : vector<128x3128xf32>, vector<128x128xf32>, vector<3128x128xf32> -> vector<3128x128xf32>
    %swap3A = arith.constant 0 : index
    %swap3A_16 = arith.constant 0 : index
    %swap3A_17 = vector.load %arg2[%swap3A, %swap3A_16] : memref<12512x128xf32, #tpu.memory_space<vmem>>, vector<3128x128xf32>
    tpu.vector_store %arg2[%swap3A, %swap3A_16], %dot_general3A_15 {strides = array<i32>} : memref<12512x128xf32, #tpu.memory_space<vmem>>, vector<3128x128xf32>,
    %slice3A_18 = vector.extract_strided_slice %get3A_3 {offsets = [0, 3128], sizes = [16, 3128], strides = [1, 1]} : vector<16x100000xf32> to vector<16x3128xf32>
    %slice3A_19 = vector.extract_strided_slice %get3A_3 {offsets = [0, 15640], sizes = [16, 3128], strides = [1, 1]} : vector<16x100000xf32> to vector<16x3128xf32>
    %slice3A_20 = vector.extract_strided_slice %get3A_3 {offsets = [0, 28152], sizes = [16, 3128], strides = [1, 1]} : vector<16x100000xf32> to vector<16x3128xf32>
    %slice3A_21 = vector.extract_strided_slice %get3A_3 {offsets = [0, 40664], sizes = [16, 3128], strides = [1, 1]} : vector<16x100000xf32> to vector<16x3128xf32>
    %slice3A_22 = vector.extract_strided_slice %get3A_3 {offsets = [0, 53176], sizes = [16, 3128], strides = [1, 1]} : vector<16x100000xf32> to vector<16x3128xf32>
    %slice3A_23 = vector.extract_strided_slice %get3A_3 {offsets = [0, 65688], sizes = [16, 3128], strides = [1, 1]} : vector<16x100000xf32> to vector<16x3128xf32>
    %slice3A_24 = vector.extract_strided_slice %get3A_3 {offsets = [0, 78200], sizes = [16, 3128], strides = [1, 1]} : vector<16x100000xf32> to vector<16x3128xf32>
    %slice3A_25 = vector.extract_strided_slice %get3A_3 {offsets = [0, 90712], sizes = [16, 3128], strides = [1, 1]} : vector<16x100000xf32> to vector<16x3128xf32>
    %concatenate3A_26 = tpu.concatenate %slice3A_18, %slice3A_19, %slice3A_20, %slice3A_21, %slice3A_22, %slice3A_23, %slice3A_24, %slice3A_25 in 0 : vector<16x3128xf32>, vector<16x3128xf32>, vector<16x3128xf32>, vector<16x3128xf32>, vector<16x3128xf32>, vector<16x3128xf32>, vector<16x3128xf32>, vector<16x3128xf32> -> vector<128x3128xf32>
    %dot_general3A_27 = arith.constant dense<0.000000e+00> : vector<3128x128xf32>
    %dot_general3A_28 = tpu.matmul %concatenate3A_26, %convert_element_type3A_7, %dot_general3A_27 {dimension_numbers = #tpu.dot_dimension_numbers<[0], [0], [1], [1], [0, 1, 1, 1], [], []>, transpose_lhs_hint = false} : vector<128x3128xf32>, vector<128x128xf32>, vector<3128x128xf32> -> vector<3128x128xf32>
    %swap3A_29 = arith.constant 3128 : index
    %swap3A_30 = arith.constant 0 : index
    %swap3A_31 = vector.load %arg2[%swap3A_29, %swap3A_30] : memref<12512x128xf32, #tpu.memory_space<vmem>>, vector<3128x128xf32>
    tpu.vector_store %arg2[%swap3A_29, %swap3A_30], %dot_general3A_28 {strides = array<i32>} : memref<12512x128xf32, #tpu.memory_space<vmem>>, vector<3128x128xf32>,
    %slice3A_32 = vector.extract_strided_slice %get3A_3 {offsets = [0, 6256], sizes = [16, 3128], strides = [1, 1]} : vector<16x100000xf32> to vector<16x3128xf32>
    %slice3A_33 = vector.extract_strided_slice %get3A_3 {offsets = [0, 18768], sizes = [16, 3128], strides = [1, 1]} : vector<16x100000xf32> to vector<16x3128xf32>
    %slice3A_34 = vector.extract_strided_slice %get3A_3 {offsets = [0, 31280], sizes = [16, 3128], strides = [1, 1]} : vector<16x100000xf32> to vector<16x3128xf32>
    %slice3A_35 = vector.extract_strided_slice %get3A_3 {offsets = [0, 43792], sizes = [16, 3128], strides = [1, 1]} : vector<16x100000xf32> to vector<16x3128xf32>
    %slice3A_36 = vector.extract_strided_slice %get3A_3 {offsets = [0, 56304], sizes = [16, 3128], strides = [1, 1]} : vector<16x100000xf32> to vector<16x3128xf32>
    %slice3A_37 = vector.extract_strided_slice %get3A_3 {offsets = [0, 68816], sizes = [16, 3128], strides = [1, 1]} : vector<16x100000xf32> to vector<16x3128xf32>
    %slice3A_38 = vector.extract_strided_slice %get3A_3 {offsets = [0, 81328], sizes = [16, 3128], strides = [1, 1]} : vector<16x100000xf32> to vector<16x3128xf32>
    %slice3A_39 = vector.extract_strided_slice %get3A_3 {offsets = [0, 93840], sizes = [16, 3128], strides = [1, 1]} : vector<16x100000xf32> to vector<16x3128xf32>
    %concatenate3A_40 = tpu.concatenate %slice3A_32, %slice3A_33, %slice3A_34, %slice3A_35, %slice3A_36, %slice3A_37, %slice3A_38, %slice3A_39 in 0 : vector<16x3128xf32>, vector<16x3128xf32>, vector<16x3128xf32>, vector<16x3128xf32>, vector<16x3128xf32>, vector<16x3128xf32>, vector<16x3128xf32>, vector<16x3128xf32> -> vector<128x3128xf32>
    %dot_general3A_41 = arith.constant dense<0.000000e+00> : vector<3128x128xf32>
    %dot_general3A_42 = tpu.matmul %concatenate3A_40, %convert_element_type3A_7, %dot_general3A_41 {dimension_numbers = #tpu.dot_dimension_numbers<[0], [0], [1], [1], [0, 1, 1, 1], [], []>, transpose_lhs_hint = false} : vector<128x3128xf32>, vector<128x128xf32>, vector<3128x128xf32> -> vector<3128x128xf32>
    %swap3A_43 = arith.constant 6256 : index
    %swap3A_44 = arith.constant 0 : index
    %swap3A_45 = vector.load %arg2[%swap3A_43, %swap3A_44] : memref<12512x128xf32, #tpu.memory_space<vmem>>, vector<3128x128xf32>
    tpu.vector_store %arg2[%swap3A_43, %swap3A_44], %dot_general3A_42 {strides = array<i32>} : memref<12512x128xf32, #tpu.memory_space<vmem>>, vector<3128x128xf32>,
    %slice3A_46 = vector.extract_strided_slice %get3A_3 {offsets = [0, 9384], sizes = [16, 3128], strides = [1, 1]} : vector<16x100000xf32> to vector<16x3128xf32>
    %slice3A_47 = vector.extract_strided_slice %get3A_3 {offsets = [0, 21896], sizes = [16, 3128], strides = [1, 1]} : vector<16x100000xf32> to vector<16x3128xf32>
    %slice3A_48 = vector.extract_strided_slice %get3A_3 {offsets = [0, 34408], sizes = [16, 3128], strides = [1, 1]} : vector<16x100000xf32> to vector<16x3128xf32>
    %slice3A_49 = vector.extract_strided_slice %get3A_3 {offsets = [0, 46920], sizes = [16, 3128], strides = [1, 1]} : vector<16x100000xf32> to vector<16x3128xf32>
    %slice3A_50 = vector.extract_strided_slice %get3A_3 {offsets = [0, 59432], sizes = [16, 3128], strides = [1, 1]} : vector<16x100000xf32> to vector<16x3128xf32>
    %slice3A_51 = vector.extract_strided_slice %get3A_3 {offsets = [0, 71944], sizes = [16, 3128], strides = [1, 1]} : vector<16x100000xf32> to vector<16x3128xf32>
    %slice3A_52 = vector.extract_strided_slice %get3A_3 {offsets = [0, 84456], sizes = [16, 3128], strides = [1, 1]} : vector<16x100000xf32> to vector<16x3128xf32>
    %slice3A_53 = vector.extract_strided_slice %get3A_3 {offsets = [0, 96968], sizes = [16, 3032], strides = [1, 1]} : vector<16x100000xf32> to vector<16x3032xf32>
    %broadcast_in_dim3A = arith.constant 0.000000e+00 : f32
    %broadcast_in_dim3A_54 = vector.broadcast %broadcast_in_dim3A : f32 to vector<16x96xf32>
    %concatenate3A_55 = tpu.concatenate %slice3A_53, %broadcast_in_dim3A_54 in 1 : vector<16x3032xf32>, vector<16x96xf32> -> vector<16x3128xf32>
    %concatenate3A_56 = tpu.concatenate %slice3A_46, %slice3A_47, %slice3A_48, %slice3A_49, %slice3A_50, %slice3A_51, %slice3A_52, %concatenate3A_55 in 0 : vector<16x3128xf32>, vector<16x3128xf32>, vector<16x3128xf32>, vector<16x3128xf32>, vector<16x3128xf32>, vector<16x3128xf32>, vector<16x3128xf32>, vector<16x3128xf32> -> vector<128x3128xf32>
    %dot_general3A_57 = arith.constant dense<0.000000e+00> : vector<3128x128xf32>
    %dot_general3A_58 = tpu.matmul %concatenate3A_56, %convert_element_type3A_7, %dot_general3A_57 {dimension_numbers = #tpu.dot_dimension_numbers<[0], [0], [1], [1], [0, 1, 1, 1], [], []>, transpose_lhs_hint = false} : vector<128x3128xf32>, vector<128x128xf32>, vector<3128x128xf32> -> vector<3128x128xf32>
    %swap3A_59 = arith.constant 9384 : index
    %swap3A_60 = arith.constant 0 : index
    %swap3A_61 = vector.load %arg2[%swap3A_59, %swap3A_60] : memref<12512x128xf32, #tpu.memory_space<vmem>>, vector<3128x128xf32>
    tpu.vector_store %arg2[%swap3A_59, %swap3A_60], %dot_general3A_58 {strides = array<i32>} : memref<12512x128xf32, #tpu.memory_space<vmem>>, vector<3128x128xf32>,
    return
  }
  func.func @transform_0(%arg0: i32) -> (i32, i32, i32) {
    %c0_i32 = arith.constant 0 : i32
    %c0_i32_0 = arith.constant 0 : i32
    %c0_i32_1 = arith.constant 0 : i32
    return %arg0, %c0_i32, %c0_i32_0 : i32, i32, i32
  }
  func.func @transform_1(%arg0: i32) -> (i32, i32) {
    %c0_i32 = arith.constant 0 : i32
    %c0_i32_0 = arith.constant 0 : i32
    return %arg0, %c0_i32 : i32, i32
  }
}

module attributes {stable_mosaic.version = 14 : i64} {
  func.func @_mlp_body(%arg0: i32, %arg1: memref<2048x13xf32, #tpu.memory_space<vmem>>, %arg2: memref<2048x416xf32, #tpu.memory_space<vmem>>, %arg3: memref<2x13x256xf32, #tpu.memory_space<vmem>>, %arg4: memref<2x416x256xf32, #tpu.memory_space<vmem>>, %arg5: memref<2x256xf32, #tpu.memory_space<vmem>>, %arg6: memref<2x256x13xf32, #tpu.memory_space<vmem>>, %arg7: memref<2x256x416xf32, #tpu.memory_space<vmem>>, %arg8: memref<2x13xf32, #tpu.memory_space<vmem>>, %arg9: memref<2x416xf32, #tpu.memory_space<vmem>>, %arg10: memref<13x1xf32, #tpu.memory_space<vmem>>, %arg11: memref<416x1xf32, #tpu.memory_space<vmem>>, %arg12: memref<1x1xf32, #tpu.memory_space<vmem>>, %arg13: memref<2048x1xf32, #tpu.memory_space<vmem>>) attributes {dimension_semantics = [#tpu.dimension_semantics<arbitrary>], iteration_bounds = array<i64: 8>, scalar_prefetch = 0 : i64, scratch_operands = 0 : i64, tpu.core_type = #tpu.core_type<tc>, window_params = [{transform_indices = @transform_0, window_bounds = array<i64: 2048, 13>}, {transform_indices = @transform_1, window_bounds = array<i64: 2048, 416>}, {pipeline_mode = #tpu.pipeline_mode<synchronous>, transform_indices = @transform_2, window_bounds = array<i64: 2, 13, 256>}, {pipeline_mode = #tpu.pipeline_mode<synchronous>, transform_indices = @transform_3, window_bounds = array<i64: 2, 416, 256>}, {pipeline_mode = #tpu.pipeline_mode<synchronous>, transform_indices = @transform_4, window_bounds = array<i64: 2, 256>}, {pipeline_mode = #tpu.pipeline_mode<synchronous>, transform_indices = @transform_5, window_bounds = array<i64: 2, 256, 13>}, {pipeline_mode = #tpu.pipeline_mode<synchronous>, transform_indices = @transform_6, window_bounds = array<i64: 2, 256, 416>}, {pipeline_mode = #tpu.pipeline_mode<synchronous>, transform_indices = @transform_7, window_bounds = array<i64: 2, 13>}, {pipeline_mode = #tpu.pipeline_mode<synchronous>, transform_indices = @transform_8, window_bounds = array<i64: 2, 416>}, {pipeline_mode = #tpu.pipeline_mode<synchronous>, transform_indices = @transform_9, window_bounds = array<i64: 13, 1>}, {pipeline_mode = #tpu.pipeline_mode<synchronous>, transform_indices = @transform_10, window_bounds = array<i64: 416, 1>}, {pipeline_mode = #tpu.pipeline_mode<synchronous>, transform_indices = @transform_11, window_bounds = array<i64: 1, 1>}, {transform_indices = @transform_12, window_bounds = array<i64: 2048, 1>}]} {
    %get3A = arith.constant 0 : index
    %get3A_0 = arith.constant 0 : index
    %get3A_1 = vector.load %arg1[%get3A, %get3A_0] : memref<2048x13xf32, #tpu.memory_space<vmem>>, vector<2048x13xf32>
    %get3A_2 = arith.constant 0 : index
    %get3A_3 = arith.constant 0 : index
    %get3A_4 = vector.load %arg2[%get3A_2, %get3A_3] : memref<2048x416xf32, #tpu.memory_space<vmem>>, vector<2048x416xf32>
    %get3A_5 = arith.constant 0 : index
    %get3A_6 = arith.constant 0 : index
    %get3A_7 = arith.constant 0 : index
    %get3A_8 = vector.load %arg3[%get3A_5, %get3A_6, %get3A_7] : memref<2x13x256xf32, #tpu.memory_space<vmem>>, vector<1x13x256xf32>
    %get3A_9 = vector.shape_cast %get3A_8 : vector<1x13x256xf32> to vector<13x256xf32>
    %dot_general3A = arith.constant dense<0.000000e+00> : vector<2048x256xf32>
    %dot_general3A_10 = tpu.matmul %get3A_1, %get3A_9, %dot_general3A {dimension_numbers = #tpu.dot_dimension_numbers<[1], [0], [0], [1], [0, 0, 1, 1], [], []>, transpose_lhs_hint = false} : vector<2048x13xf32>, vector<13x256xf32>, vector<2048x256xf32> -> vector<2048x256xf32>
    %get3A_11 = arith.constant 0 : index
    %get3A_12 = arith.constant 0 : index
    %get3A_13 = arith.constant 0 : index
    %get3A_14 = vector.load %arg4[%get3A_11, %get3A_12, %get3A_13] : memref<2x416x256xf32, #tpu.memory_space<vmem>>, vector<1x416x256xf32>
    %get3A_15 = vector.shape_cast %get3A_14 : vector<1x416x256xf32> to vector<416x256xf32>
    %dot_general3A_16 = arith.constant dense<0.000000e+00> : vector<2048x256xf32>
    %dot_general3A_17 = tpu.matmul %get3A_4, %get3A_15, %dot_general3A_16 {dimension_numbers = #tpu.dot_dimension_numbers<[1], [0], [0], [1], [0, 0, 1, 1], [], []>, transpose_lhs_hint = false} : vector<2048x416xf32>, vector<416x256xf32>, vector<2048x256xf32> -> vector<2048x256xf32>
    %add3A = arith.addf %dot_general3A_10, %dot_general3A_17 : vector<2048x256xf32>
    %get3A_18 = arith.constant 0 : index
    %get3A_19 = arith.constant 0 : index
    %get3A_20 = vector.load %arg5[%get3A_18, %get3A_19] : memref<2x256xf32, #tpu.memory_space<vmem>>, vector<1x256xf32>
    %get3A_21 = vector.shape_cast %get3A_20 : vector<1x256xf32> to vector<256xf32>
    %broadcast_in_dim3A = vector.shape_cast %get3A_21 : vector<256xf32> to vector<1x256xf32>
    %add3A_22 = vector.broadcast %broadcast_in_dim3A : vector<1x256xf32> to vector<2048x256xf32>
    %add3A_23 = arith.addf %add3A, %add3A_22 : vector<2048x256xf32>
    %max3A = arith.constant 0.000000e+00 : f32
    %max3A_24 = vector.broadcast %max3A : f32 to vector<2048x256xf32>
    %max3A_25 = arith.maximumf %add3A_23, %max3A_24 : vector<2048x256xf32>
    %get3A_26 = arith.constant 0 : index
    %get3A_27 = arith.constant 0 : index
    %get3A_28 = arith.constant 0 : index
    %get3A_29 = vector.load %arg6[%get3A_26, %get3A_27, %get3A_28] : memref<2x256x13xf32, #tpu.memory_space<vmem>>, vector<1x256x13xf32>
    %get3A_30 = vector.shape_cast %get3A_29 : vector<1x256x13xf32> to vector<256x13xf32>
    %dot_general3A_31 = arith.constant dense<0.000000e+00> : vector<2048x13xf32>
    %dot_general3A_32 = tpu.matmul %max3A_25, %get3A_30, %dot_general3A_31 {dimension_numbers = #tpu.dot_dimension_numbers<[1], [0], [0], [1], [0, 0, 1, 1], [], []>, transpose_lhs_hint = false} : vector<2048x256xf32>, vector<256x13xf32>, vector<2048x13xf32> -> vector<2048x13xf32>
    %get3A_33 = arith.constant 0 : index
    %get3A_34 = arith.constant 0 : index
    %get3A_35 = vector.load %arg8[%get3A_33, %get3A_34] : memref<2x13xf32, #tpu.memory_space<vmem>>, vector<1x13xf32>
    %get3A_36 = vector.shape_cast %get3A_35 : vector<1x13xf32> to vector<13xf32>
    %broadcast_in_dim3A_37 = vector.shape_cast %get3A_36 : vector<13xf32> to vector<1x13xf32>
    %add3A_38 = vector.broadcast %broadcast_in_dim3A_37 : vector<1x13xf32> to vector<2048x13xf32>
    %add3A_39 = arith.addf %dot_general3A_32, %add3A_38 : vector<2048x13xf32>
    %get3A_40 = arith.constant 0 : index
    %get3A_41 = arith.constant 0 : index
    %get3A_42 = arith.constant 0 : index
    %get3A_43 = vector.load %arg7[%get3A_40, %get3A_41, %get3A_42] : memref<2x256x416xf32, #tpu.memory_space<vmem>>, vector<1x256x416xf32>
    %get3A_44 = vector.shape_cast %get3A_43 : vector<1x256x416xf32> to vector<256x416xf32>
    %dot_general3A_45 = arith.constant dense<0.000000e+00> : vector<2048x416xf32>
    %dot_general3A_46 = tpu.matmul %max3A_25, %get3A_44, %dot_general3A_45 {dimension_numbers = #tpu.dot_dimension_numbers<[1], [0], [0], [1], [0, 0, 1, 1], [], []>, transpose_lhs_hint = false} : vector<2048x256xf32>, vector<256x416xf32>, vector<2048x416xf32> -> vector<2048x416xf32>
    %get3A_47 = arith.constant 0 : index
    %get3A_48 = arith.constant 0 : index
    %get3A_49 = vector.load %arg9[%get3A_47, %get3A_48] : memref<2x416xf32, #tpu.memory_space<vmem>>, vector<1x416xf32>
    %get3A_50 = vector.shape_cast %get3A_49 : vector<1x416xf32> to vector<416xf32>
    %broadcast_in_dim3A_51 = vector.shape_cast %get3A_50 : vector<416xf32> to vector<1x416xf32>
    %add3A_52 = vector.broadcast %broadcast_in_dim3A_51 : vector<1x416xf32> to vector<2048x416xf32>
    %add3A_53 = arith.addf %dot_general3A_46, %add3A_52 : vector<2048x416xf32>
    %add3A_54 = arith.addf %add3A_39, %get3A_1 : vector<2048x13xf32>
    %max3A_55 = arith.constant 0.000000e+00 : f32
    %max3A_56 = vector.broadcast %max3A_55 : f32 to vector<2048x13xf32>
    %max3A_57 = arith.maximumf %add3A_54, %max3A_56 : vector<2048x13xf32>
    %add3A_58 = arith.addf %add3A_53, %get3A_4 : vector<2048x416xf32>
    %max3A_59 = arith.constant 0.000000e+00 : f32
    %max3A_60 = vector.broadcast %max3A_59 : f32 to vector<2048x416xf32>
    %max3A_61 = arith.maximumf %add3A_58, %max3A_60 : vector<2048x416xf32>
    %get3A_62 = arith.constant 1 : index
    %get3A_63 = arith.constant 0 : index
    %get3A_64 = arith.constant 0 : index
    %get3A_65 = vector.load %arg3[%get3A_62, %get3A_63, %get3A_64] : memref<2x13x256xf32, #tpu.memory_space<vmem>>, vector<1x13x256xf32>
    %get3A_66 = vector.shape_cast %get3A_65 : vector<1x13x256xf32> to vector<13x256xf32>
    %dot_general3A_67 = arith.constant dense<0.000000e+00> : vector<2048x256xf32>
    %dot_general3A_68 = tpu.matmul %max3A_57, %get3A_66, %dot_general3A_67 {dimension_numbers = #tpu.dot_dimension_numbers<[1], [0], [0], [1], [0, 0, 1, 1], [], []>, transpose_lhs_hint = false} : vector<2048x13xf32>, vector<13x256xf32>, vector<2048x256xf32> -> vector<2048x256xf32>
    %get3A_69 = arith.constant 1 : index
    %get3A_70 = arith.constant 0 : index
    %get3A_71 = arith.constant 0 : index
    %get3A_72 = vector.load %arg4[%get3A_69, %get3A_70, %get3A_71] : memref<2x416x256xf32, #tpu.memory_space<vmem>>, vector<1x416x256xf32>
    %get3A_73 = vector.shape_cast %get3A_72 : vector<1x416x256xf32> to vector<416x256xf32>
    %dot_general3A_74 = arith.constant dense<0.000000e+00> : vector<2048x256xf32>
    %dot_general3A_75 = tpu.matmul %max3A_61, %get3A_73, %dot_general3A_74 {dimension_numbers = #tpu.dot_dimension_numbers<[1], [0], [0], [1], [0, 0, 1, 1], [], []>, transpose_lhs_hint = false} : vector<2048x416xf32>, vector<416x256xf32>, vector<2048x256xf32> -> vector<2048x256xf32>
    %add3A_76 = arith.addf %dot_general3A_68, %dot_general3A_75 : vector<2048x256xf32>
    %get3A_77 = arith.constant 1 : index
    %get3A_78 = arith.constant 0 : index
    %get3A_79 = vector.load %arg5[%get3A_77, %get3A_78] : memref<2x256xf32, #tpu.memory_space<vmem>>, vector<1x256xf32>
    %get3A_80 = vector.shape_cast %get3A_79 : vector<1x256xf32> to vector<256xf32>
    %broadcast_in_dim3A_81 = vector.shape_cast %get3A_80 : vector<256xf32> to vector<1x256xf32>
    %add3A_82 = vector.broadcast %broadcast_in_dim3A_81 : vector<1x256xf32> to vector<2048x256xf32>
    %add3A_83 = arith.addf %add3A_76, %add3A_82 : vector<2048x256xf32>
    %max3A_84 = arith.constant 0.000000e+00 : f32
    %max3A_85 = vector.broadcast %max3A_84 : f32 to vector<2048x256xf32>
    %max3A_86 = arith.maximumf %add3A_83, %max3A_85 : vector<2048x256xf32>
    %get3A_87 = arith.constant 1 : index
    %get3A_88 = arith.constant 0 : index
    %get3A_89 = arith.constant 0 : index
    %get3A_90 = vector.load %arg6[%get3A_87, %get3A_88, %get3A_89] : memref<2x256x13xf32, #tpu.memory_space<vmem>>, vector<1x256x13xf32>
    %get3A_91 = vector.shape_cast %get3A_90 : vector<1x256x13xf32> to vector<256x13xf32>
    %dot_general3A_92 = arith.constant dense<0.000000e+00> : vector<2048x13xf32>
    %dot_general3A_93 = tpu.matmul %max3A_86, %get3A_91, %dot_general3A_92 {dimension_numbers = #tpu.dot_dimension_numbers<[1], [0], [0], [1], [0, 0, 1, 1], [], []>, transpose_lhs_hint = false} : vector<2048x256xf32>, vector<256x13xf32>, vector<2048x13xf32> -> vector<2048x13xf32>
    %get3A_94 = arith.constant 1 : index
    %get3A_95 = arith.constant 0 : index
    %get3A_96 = vector.load %arg8[%get3A_94, %get3A_95] : memref<2x13xf32, #tpu.memory_space<vmem>>, vector<1x13xf32>
    %get3A_97 = vector.shape_cast %get3A_96 : vector<1x13xf32> to vector<13xf32>
    %broadcast_in_dim3A_98 = vector.shape_cast %get3A_97 : vector<13xf32> to vector<1x13xf32>
    %add3A_99 = vector.broadcast %broadcast_in_dim3A_98 : vector<1x13xf32> to vector<2048x13xf32>
    %add3A_100 = arith.addf %dot_general3A_93, %add3A_99 : vector<2048x13xf32>
    %get3A_101 = arith.constant 1 : index
    %get3A_102 = arith.constant 0 : index
    %get3A_103 = arith.constant 0 : index
    %get3A_104 = vector.load %arg7[%get3A_101, %get3A_102, %get3A_103] : memref<2x256x416xf32, #tpu.memory_space<vmem>>, vector<1x256x416xf32>
    %get3A_105 = vector.shape_cast %get3A_104 : vector<1x256x416xf32> to vector<256x416xf32>
    %dot_general3A_106 = arith.constant dense<0.000000e+00> : vector<2048x416xf32>
    %dot_general3A_107 = tpu.matmul %max3A_86, %get3A_105, %dot_general3A_106 {dimension_numbers = #tpu.dot_dimension_numbers<[1], [0], [0], [1], [0, 0, 1, 1], [], []>, transpose_lhs_hint = false} : vector<2048x256xf32>, vector<256x416xf32>, vector<2048x416xf32> -> vector<2048x416xf32>
    %get3A_108 = arith.constant 1 : index
    %get3A_109 = arith.constant 0 : index
    %get3A_110 = vector.load %arg9[%get3A_108, %get3A_109] : memref<2x416xf32, #tpu.memory_space<vmem>>, vector<1x416xf32>
    %get3A_111 = vector.shape_cast %get3A_110 : vector<1x416xf32> to vector<416xf32>
    %broadcast_in_dim3A_112 = vector.shape_cast %get3A_111 : vector<416xf32> to vector<1x416xf32>
    %add3A_113 = vector.broadcast %broadcast_in_dim3A_112 : vector<1x416xf32> to vector<2048x416xf32>
    %add3A_114 = arith.addf %dot_general3A_107, %add3A_113 : vector<2048x416xf32>
    %add3A_115 = arith.addf %add3A_100, %max3A_57 : vector<2048x13xf32>
    %max3A_116 = arith.constant 0.000000e+00 : f32
    %max3A_117 = vector.broadcast %max3A_116 : f32 to vector<2048x13xf32>
    %max3A_118 = arith.maximumf %add3A_115, %max3A_117 : vector<2048x13xf32>
    %add3A_119 = arith.addf %add3A_114, %max3A_61 : vector<2048x416xf32>
    %max3A_120 = arith.constant 0.000000e+00 : f32
    %max3A_121 = vector.broadcast %max3A_120 : f32 to vector<2048x416xf32>
    %max3A_122 = arith.maximumf %add3A_119, %max3A_121 : vector<2048x416xf32>
    %get3A_123 = arith.constant 0 : index
    %get3A_124 = arith.constant 0 : index
    %get3A_125 = vector.load %arg10[%get3A_123, %get3A_124] : memref<13x1xf32, #tpu.memory_space<vmem>>, vector<13x1xf32>
    %dot_general3A_126 = arith.constant dense<0.000000e+00> : vector<2048x1xf32>
    %dot_general3A_127 = tpu.matmul %max3A_118, %get3A_125, %dot_general3A_126 {dimension_numbers = #tpu.dot_dimension_numbers<[1], [0], [0], [1], [0, 0, 1, 1], [], []>, transpose_lhs_hint = false} : vector<2048x13xf32>, vector<13x1xf32>, vector<2048x1xf32> -> vector<2048x1xf32>
    %get3A_128 = arith.constant 0 : index
    %get3A_129 = arith.constant 0 : index
    %get3A_130 = vector.load %arg11[%get3A_128, %get3A_129] : memref<416x1xf32, #tpu.memory_space<vmem>>, vector<416x1xf32>
    %dot_general3A_131 = arith.constant dense<0.000000e+00> : vector<2048x1xf32>
    %dot_general3A_132 = tpu.matmul %max3A_122, %get3A_130, %dot_general3A_131 {dimension_numbers = #tpu.dot_dimension_numbers<[1], [0], [0], [1], [0, 0, 1, 1], [], []>, transpose_lhs_hint = false} : vector<2048x416xf32>, vector<416x1xf32>, vector<2048x1xf32> -> vector<2048x1xf32>
    %add3A_133 = arith.addf %dot_general3A_127, %dot_general3A_132 : vector<2048x1xf32>
    %get3A_134 = arith.constant 0 : index
    %get3A_135 = arith.constant 0 : index
    %get3A_136 = vector.load %arg12[%get3A_134, %get3A_135] : memref<1x1xf32, #tpu.memory_space<vmem>>, vector<1x1xf32>
    %get3A_137 = vector.extract %get3A_136[0, 0] : f32 from vector<1x1xf32>
    %add3A_138 = vector.broadcast %get3A_137 : f32 to vector<2048x1xf32>
    %add3A_139 = arith.addf %add3A_133, %add3A_138 : vector<2048x1xf32>
    %logistic3A = arith.negf %add3A_139 : vector<2048x1xf32>
    %logistic3A_140 = math.exp %logistic3A : vector<2048x1xf32>
    %logistic3A_141 = arith.constant 1.000000e+00 : f32
    %logistic3A_142 = vector.broadcast %logistic3A_141 : f32 to vector<2048x1xf32>
    %logistic3A_143 = arith.addf %logistic3A_142, %logistic3A_140 : vector<2048x1xf32>
    %logistic3A_144 = arith.divf %logistic3A_142, %logistic3A_143 : vector<2048x1xf32>
    %swap3A = arith.constant 0 : index
    %swap3A_145 = arith.constant 0 : index
    %swap3A_146 = vector.load %arg13[%swap3A, %swap3A_145] : memref<2048x1xf32, #tpu.memory_space<vmem>>, vector<2048x1xf32>
    tpu.vector_store %arg13[%swap3A, %swap3A_145], %logistic3A_144 {strides = array<i32>} : memref<2048x1xf32, #tpu.memory_space<vmem>>, vector<2048x1xf32>,
    return
  }
  func.func @transform_0(%arg0: i32) -> (i32, i32) {
    %c0_i32 = arith.constant 0 : i32
    %c0_i32_0 = arith.constant 0 : i32
    return %arg0, %c0_i32 : i32, i32
  }
  func.func @transform_1(%arg0: i32) -> (i32, i32) {
    %c0_i32 = arith.constant 0 : i32
    %c0_i32_0 = arith.constant 0 : i32
    return %arg0, %c0_i32 : i32, i32
  }
  func.func @transform_2(%arg0: i32) -> (i32, i32, i32) {
    %c0_i32 = arith.constant 0 : i32
    %c0_i32_0 = arith.constant 0 : i32
    %c0_i32_1 = arith.constant 0 : i32
    %c0_i32_2 = arith.constant 0 : i32
    return %c0_i32, %c0_i32_0, %c0_i32_1 : i32, i32, i32
  }
  func.func @transform_3(%arg0: i32) -> (i32, i32, i32) {
    %c0_i32 = arith.constant 0 : i32
    %c0_i32_0 = arith.constant 0 : i32
    %c0_i32_1 = arith.constant 0 : i32
    %c0_i32_2 = arith.constant 0 : i32
    return %c0_i32, %c0_i32_0, %c0_i32_1 : i32, i32, i32
  }
  func.func @transform_4(%arg0: i32) -> (i32, i32) {
    %c0_i32 = arith.constant 0 : i32
    %c0_i32_0 = arith.constant 0 : i32
    %c0_i32_1 = arith.constant 0 : i32
    return %c0_i32, %c0_i32_0 : i32, i32
  }
  func.func @transform_5(%arg0: i32) -> (i32, i32, i32) {
    %c0_i32 = arith.constant 0 : i32
    %c0_i32_0 = arith.constant 0 : i32
    %c0_i32_1 = arith.constant 0 : i32
    %c0_i32_2 = arith.constant 0 : i32
    return %c0_i32, %c0_i32_0, %c0_i32_1 : i32, i32, i32
  }
  func.func @transform_6(%arg0: i32) -> (i32, i32, i32) {
    %c0_i32 = arith.constant 0 : i32
    %c0_i32_0 = arith.constant 0 : i32
    %c0_i32_1 = arith.constant 0 : i32
    %c0_i32_2 = arith.constant 0 : i32
    return %c0_i32, %c0_i32_0, %c0_i32_1 : i32, i32, i32
  }
  func.func @transform_7(%arg0: i32) -> (i32, i32) {
    %c0_i32 = arith.constant 0 : i32
    %c0_i32_0 = arith.constant 0 : i32
    %c0_i32_1 = arith.constant 0 : i32
    return %c0_i32, %c0_i32_0 : i32, i32
  }
  func.func @transform_8(%arg0: i32) -> (i32, i32) {
    %c0_i32 = arith.constant 0 : i32
    %c0_i32_0 = arith.constant 0 : i32
    %c0_i32_1 = arith.constant 0 : i32
    return %c0_i32, %c0_i32_0 : i32, i32
  }
  func.func @transform_9(%arg0: i32) -> (i32, i32) {
    %c0_i32 = arith.constant 0 : i32
    %c0_i32_0 = arith.constant 0 : i32
    %c0_i32_1 = arith.constant 0 : i32
    return %c0_i32, %c0_i32_0 : i32, i32
  }
  func.func @transform_10(%arg0: i32) -> (i32, i32) {
    %c0_i32 = arith.constant 0 : i32
    %c0_i32_0 = arith.constant 0 : i32
    %c0_i32_1 = arith.constant 0 : i32
    return %c0_i32, %c0_i32_0 : i32, i32
  }
  func.func @transform_11(%arg0: i32) -> (i32, i32) {
    %c0_i32 = arith.constant 0 : i32
    %c0_i32_0 = arith.constant 0 : i32
    %c0_i32_1 = arith.constant 0 : i32
    return %c0_i32, %c0_i32_0 : i32, i32
  }
  func.func @transform_12(%arg0: i32) -> (i32, i32) {
    %c0_i32 = arith.constant 0 : i32
    %c0_i32_0 = arith.constant 0 : i32
    return %arg0, %c0_i32 : i32, i32
  }
}

</mosaic_0001>

<sc_bundles>
// kernel: kernel.5.cloned.1.call-start
scs
__scs_entry_jumppad:
0x0: {  	(pc) =	sbr.rel $0x88, $3  }
0x1: {  	(tag) =	ssettag $0x0;
	lr =	simm.s32 $0x1  }
0x2: {  	[smem:$0x3F98] =	sst lr;
	_ =	strace $0xD0000000  }
0x3: {  	_ = 	snop  }
0x4: {  	_ = 	snop  }
0x5: {  	_ = 	snop  }
0x6: {  	_ = 	snop  }
0x7: {  	_ = 	snop  }
__scs_overlays_trampoline_lowered:
0x8: {  	[smem:$0x3FA7] =	sst s0  }
0x9: {  	[smem:$0x3FA8] =	sst s1  }
0xa: {  	[smem:$0x3FA9] =	sst s2  }
0xb: {  	[smem:$0x3FAA] =	sst s3  }
0xc: {  	[smem:$0x3FAB] =	sst s4  }
0xd: {  	[smem:$0x3FAC] =	sst s5  }
0xe: {  	[smem:$0x3FAD] =	sst s6  }
0xf: {  	[smem:$0x3FAE] =	sst s7  }
0x10: {  	[smem:$0x3FAF] =	sst s8  }
0x11: {  	[smem:$0x3FB0] =	sst s9;
	s0 =	simm.s32 @!p0 $0x0  }
0x12: {  	s1 =	sld [smem:$0x3F96];
	s0 =	simm.s32 @p0 $0x1  }
0x13: {  	[smem:$0x3FB1] =	sst s0;
	s0 =	simm.s32 @!p1 $0x0  }
0x14: {  	s2 =	sld [smem:$0x3F95];
	s0 =	simm.s32 @p1 $0x1  }
0x15: {  	[smem:$0x3FB2] =	sst s0;
	s0 =	simm.s32 @!p2 $0x0  }
0x16: {  	s3 =	sld [smem:$0x3FDB];
	s0 =	simm.s32 @p2 $0x1  }
0x17: {  	s4 =	simm.s32 $0x1BF5;
	[smem:$0x3FB4] =	sst s0  }
0x18: {  	s0 =	sld [smem:$0x3F97];
	_ =	swait.ge [sflag:s4], $0x0  }
0x19: {  	s7 =	sld [smem:$0x3F98]  }
0x1a: {  	s8 =	sadd.s32 $0xFFFFE003, lr  }
0x1b: {  	s9 =	sadd.s32 $0xFFFFFEF7, lr;
	s5 =	simm.s32 $0xFFFFFFFF;
	p2 =	slt.u32 s8, $0xFFFFF086  }
0x1c: {  	p1 =	slt.u32 s9, $0xF7A;
	s5 =	simm.s32 @!p2 $0x0  }
0x1d: {  	s5 =	simm.s32 @p1 $0x1;
	p0 =	seq.s32 s7, s2  }
0x1e: {  	s7 =	smul.u32 @!p0 $0xF7A, s2;
	p2 =	seq.s32 @!p0 s5, $0x0  }
0x1f: {  	s9 =	smul.u32 $0xF7A, s1;
	s8 =	simm.s32 @!p0 $0x1BF5;
	p2 =	por !p2, p0  }
0x20: {  	[sflag:s8] =	ssyncset.s32 @!p0 $0xFFFFF086;
	s6 =	sadd.s32 @!p0 s3, s7;
	s7 =	simm.s32 @!p0 $0x108  }
0x21: {  	s3 =	sadd.s32 s3, s9;
	s6 =	sadd.s32 @!p0 $0x88, s6;
	s7 =	simm.s32 @p2 $0x1082  }
0x22: {  	[simem:s7], [sflag:s8] =	dma.local @!p0 [hbm:s6], $0xF7A  }
0x23: {  	s9 =	sor.u32 $0xD0000000, s2;
	s6 =	simm.s32 $0x108;
	_ =	swait.ge @!p0 [sflag:s8], $0x0  }
0x24: {  	s3 =	sadd.s32 $0x88, s3;
	s6 =	simm.s32 @!p1 $0x1082;
	[sflag:s4] =	ssyncset.s32 $0xFFFFF086  }
0x25: {  	[simem:s6], [sflag:s4] =	dma.local [hbm:s3], $0xF7A  }
0x26: {  	[smem:$0x3F98] =	sst s1;
	(tag) =	ssettag s2;
	_ =	strace s9  }
0x27: {  	s1 =	sld [smem:$0x3FA8]  }
0x28: {  	s2 =	sld [smem:$0x3FA9]  }
0x29: {  	s4 =	sld [smem:$0x3FAB]  }
0x2a: {  	p0 =	seq.s32 s5, $0x0;
	s5 =	sld [smem:$0x3FAC]  }
0x2b: {  	s6 =	sld [smem:$0x3FAD]  }
0x2c: {  	s7 =	sld [smem:$0x3FAE]  }
0x2d: {  	s3 =	simm.s32 $0x108;
	s8 =	sld [smem:$0x3FAF]  }
0x2e: {  	s3 =	simm.s32 @!p0 $0x1082;
	s9 =	sld [smem:$0x3FB0]  }
0x2f: {  	lr =	sadd.s32 s0, s3;
	s0 =	sld [smem:$0x3FA7]  }
0x30: {  	s3 =	sld [smem:$0x3FAA]  }
0x31: {  	[smem:$0x3FB3] =	sst s10  }
0x32: {  	s10 =	sld [smem:$0x3FB1];
	_ =	sdelay $0x3  }
0x33: {  	p0 =	seq.s32 s10, $0x1;
	s10 =	sld [smem:$0x3FB3];
	_ =	sdelay $0x3  }
0x34: {  	[smem:$0x3FB3] =	sst s10  }
0x35: {  	s10 =	sld [smem:$0x3FB2];
	_ =	sdelay $0x3  }
0x36: {  	p1 =	seq.s32 s10, $0x1;
	s10 =	sld [smem:$0x3FB3];
	_ =	sdelay $0x3  }
0x37: {  	[smem:$0x3FB3] =	sst s10  }
0x38: {  	s10 =	sld [smem:$0x3FB4]  }
0x39: {  	_ = 	snop;
	(pc) =	sbr.ind lr, $3  }
0x3a: {  	_ = 	snop  }
0x3b: {  	_ = 	snop  }
0x3c: {  	p2 =	seq.s32 s10, $0x1;
	s10 =	sld [smem:$0x3FB3]  }
0x3d: {  	_ =	shalt  }
0x3e: {  	_ =	shalt  }
0x3f: {  	_ =	shalt  }
0x40: {  	_ =	shalt  }
0x41: {  	_ =	shalt  }
0x42: {  	_ =	shalt  }
0x43: {  	_ =	shalt  }
0x44: {  	_ =	shalt  }
0x45: {  	_ =	shalt  }
0x46: {  	_ =	shalt  }
0x47: {  	_ =	shalt  }
0x48: {  	_ =	shalt  }
0x49: {  	_ =	shalt  }
0x4a: {  	_ =	shalt  }
0x4b: {  	_ =	shalt  }
0x4c: {  	_ =	shalt  }
0x4d: {  	_ =	shalt  }
0x4e: {  	_ =	shalt  }
0x4f: {  	_ =	shalt  }
0x50: {  	_ =	shalt  }
0x51: {  	_ =	shalt  }
0x52: {  	_ =	shalt  }
0x53: {  	_ =	shalt  }
0x54: {  	_ =	shalt  }
0x55: {  	_ =	shalt  }
0x56: {  	_ =	shalt  }
0x57: {  	_ =	shalt  }
0x58: {  	_ =	shalt  }
0x59: {  	_ =	shalt  }
0x5a: {  	_ =	shalt  }
0x5b: {  	_ =	shalt  }
0x5c: {  	_ =	shalt  }
0x5d: {  	_ =	shalt  }
0x5e: {  	_ =	shalt  }
0x5f: {  	_ =	shalt  }
0x60: {  	_ =	shalt  }
0x61: {  	_ =	shalt  }
0x62: {  	_ =	shalt  }
0x63: {  	_ =	shalt  }
0x64: {  	_ =	shalt  }
0x65: {  	_ =	shalt  }
0x66: {  	_ =	shalt  }
0x67: {  	_ =	shalt  }
0x68: {  	_ =	shalt  }
0x69: {  	_ =	shalt  }
0x6a: {  	_ =	shalt  }
0x6b: {  	_ =	shalt  }
0x6c: {  	_ =	shalt  }
0x6d: {  	_ =	shalt  }
0x6e: {  	_ =	shalt  }
0x6f: {  	_ =	shalt  }
0x70: {  	_ =	shalt  }
0x71: {  	_ =	shalt  }
0x72: {  	_ =	shalt  }
0x73: {  	_ =	shalt  }
0x74: {  	_ =	shalt  }
0x75: {  	_ =	shalt  }
0x76: {  	_ =	shalt  }
0x77: {  	_ =	shalt  }
0x78: {  	_ =	shalt  }
0x79: {  	_ =	shalt  }
0x7a: {  	_ =	shalt  }
0x7b: {  	_ =	shalt  }
0x7c: {  	_ =	shalt  }
0x7d: {  	_ =	shalt  }
0x7e: {  	_ =	shalt  }
0x7f: {  	_ =	shalt  }
0x80: {  	_ =	shalt  }
0x81: {  	_ =	shalt  }
0x82: {  	_ =	shalt  }
0x83: {  	_ =	shalt  }
0x84: {  	_ =	shalt  }
0x85: {  	_ =	shalt  }
0x86: {  	_ =	shalt  }
0x87: {  	_ =	shalt  }
.Lfunc_end0:
.L_simem_size_0:
called_computation_lowered:
.L_overlay_start_0:
0x88: {  	s2 =	sld [smem:$0x3FD9]  }
0x89: {  	s3 =	sld [smem:$0x3FFE];
	_ =	sdelay $0x1  }
0x8a: {  	s1 =	srdreg.scid  }
0x8b: {  	s0 =	sand.u32 $0x1, s1  }
0x8c: {  	s16 =	sshll.u32 s0, $0xA;
	s2 =	sadd.s32 s3, s2  }
0x8d: {  	s2 =	sadd.s32 s2, s16  }
0x8e: {  	[smem:$0x3FBF] =	sst s2  }
0x8f: {  	_ = 	snop  }
0x90: {  	(tm) =	ssettm $0x1  }
0x91: {  	s17 =	sld [smem:$0x3FFB];
	_ =	sdelay $0x3  }
0x92: {  	_ =	strace s17  }
0x93: {  	s2 =	sld [smem:$0x3FFC];
	_ =	sdelay $0x3  }
0x94: {  	_ =	strace s2  }
0x95: {  	s2 =	sld [smem:$0x3FFD];
	_ =	sdelay $0x3  }
0x96: {  	_ =	strace s2  }
0x97: {  	_ =	strace $0x8FFFFFFF  }
0x98: {  	s18 =	sld [smem:$0x3FDB];
	_ =	sdelay $0x1  }
0x99: {  	s19 =	simm.s32 $_scs_section_size  }
0x9a: {  	s4 =	simm.s32 $_size__tile_overlayer_lowered;
	s5 =	simm.s32 $_tile_overlayer_lowered  }
0x9b: {  	s22 =	simm.s32 $0x1BFF;
	s21 =	sshll.u32 s5, $0x1;
	s2 =	sadd.s32 s19, s18  }
0x9c: {  	s6 =	simm.s32 $0x0;
	s20 =	sshll.u32 s4, $0x1;
	s4 =	sadd.s32 s21, s2  }
0x9d: {  	[timem:s6], [sflag:s22] =	dma.local [hbm:s4], s20  }
0x9e: {  	_ =	swait.ge [sflag:s22], s20  }
0x9f: {  	s3 =	ssub.s32 $0x0, s20;
	[sflag:s22] =	ssyncset.done $0x0  }
0xa0: {  	[sflag:s22] =	ssyncadd.s32 s3;
	_ =	sdelay $0x1  }
0xa1: {  	s23 =	simm.s32 $0x1B8B  }
0xa2: {  	_ =	swait.ge [sflag:s23], $0x1  }
0xa3: {  	[sflag:s23] =	ssyncset.done $0x0  }
0xa4: {  	s25 =	simm.s32 $0x1B8E;
	s24 =	sld [smem:$0x3FFE];
	[sflag:s23] =	ssyncadd.s32 $0xFFFFFFFF  }
0xa5: {  	s26 =	simm.s32 $execute0_lowered;
	[smem:$0x3FD2] =	sst s25  }
0xa6: {  	s4 =	sshll.u32 s26, $0x1;
	_ =	strace $0x80000046;
	[dreg:$0x1] =	wrdreg $0xFFFFFFFF  }
0xa7: {  	s28 =	simm.s32 $_size_execute0_lowered;
	s2 =	sadd.s32 s2, s4;
	[dreg:$0x0] =	wrdreg $0x0  }
0xa8: {  	s4 =	sshll.u32 s28, $0x1;
	[dreg:$0x2] =	wrdreg s2  }
0xa9: {  	[dreg:$0x3] =	wrdreg s4  }
0xaa: {  	[dreg:$0x4] =	wrdreg $0xC0  }
0xab: {  	_ =	task [dreg:s6], $0x5FFFF  }
0xac: {  	[dreg:$0x1] =	wrdreg $0xFFFFFFFF  }
0xad: {  	[dreg:$0x0] =	wrdreg $0x60  }
0xae: {  	[dreg:$0x2] =	wrdreg s24  }
0xaf: {  	[dreg:$0x3] =	wrdreg $0x9  }
0xb0: {  	_ =	task.clear_ibuf [dreg:s6], $0x4FFFF;
	_ =	strace $0x90000046  }
0xb1: {  	s29 =	simm.s32 $0x9;
	_ =	strace $0x8000004F  }
0xb2: {  	_ =	swait.ge [sflag:s29], $0x1  }
0xb3: {  	[sflag:s29] =	ssyncadd.s32 $0xFFFFFFFF  }
0xb4: {  	_ =	strace $0x9000004F  }
0xb5: {  	_ =	sfence  }
0xb6: {  	s30 =	sld [smem:$0x0];
	_ =	sdelay $0x2  }
0xb7: {  	s31 =	sshll.u32 s1, $0xD;
	s1 =	sshrl.u32 s1, $0x2  }
0xb8: {  	s3 =	sand.u32 $0x4000, s31;
	s1 =	sadd.s32 s1, s30  }
0xb9: {  	s0 =	sor.u32 s3, s0;
	s1 =	sshll.u32 s1, $0x11  }
0xba: {  	s0 =	sor.u32 s1, s0  }
0xbb: {  	s0 =	sadd.s32 $0x8F2B, s0  }
0xbc: {  	[sflag:s0] =	ssyncadd.remote.s32 $0x1  }
0xbd: {  	_ =	sfence.sel $0xFFFF  }
0xbe: {  	[dreg:$0x0] =	wrdreg $0xFFFFFFFF;
	(pc) =	sbr.abs _section_cstart, $3  }
0xbf: {  	[dreg:$0x1] =	wrdreg $0xFFFFFFFF  }
0xc0: {  	_ =	task.clear_ibuf [dreg:s6], $0x2FFFF;
	_ =	strace $0x9FFFFFFF  }
0xc1: {  	(tm) =	ssettm $0x7FFFFFFF  }
tec
execute0_lowered:
.L_overlay_start_1:
0x0: {  	(tag) =	ssettag $0x1  }
0x1: {  	s0 =	rddreg [dreg:$0x0];
	s1 =	simm.s32 $0x0  }
0x2: {  	s24 =	srdreg.scid;
	s5 =	stileid.u32;
	s10 =	simm.s32 $0x80  }
0x3: {  	s21 =	simm.s32 $0x300;
	s22 =	simm.s32 $0x3680;
	s23 =	simm.s32 $0x380  }
0x4: {  	s28 =	simm.s32 $0x480;
	s29 =	simm.s32 $0x4E80;
	s30 =	simm.s32 $0x500  }
0x5: {  	s31 =	simm.s32 $0x5680;
	s9 =	simm.s32 $0x6680;
	s11 =	simm.s32 $0x0  }
0x6: {  	[smem:$0x7FF] =	sst s1;
	s1 =	sand.u32 $0x1, s24;
	s3 =	sadd.s32 $0x2200, s0  }
0x7: {  	s4 =	sadd.s32 $0x4F8E00, s0;
	s24 =	simm.s32 $0x3E80;
	s2 =	sshll.u32 s1, $0x4  }
0x8: {  	_ =	strace $0x80000047;
	s1 =	ssub.s32 $0x2, s1;
	s2 =	sor.u32 s5, s2  }
0x9: {  	s5 =	sadd.s32 $0x508E00, s0;
	s25 =	sshrl.u32 s1, $0x1;
	s7 =	sshll.u32 s2, $0xB  }
0xa: {  	s0 =	ssub.s32 s1, s25;
	s6 =	sshll.u32 s2, $0x3;
	s25 =	simm.s32 $0x400  }
0xb: {  	s2 =	simm.s32 $0x5E80;
	s1 =	simm.s32 $0x600;
	s26 =	sadd.s32 s4, s7  }
0xc: {  	s0 =	smax.u32 s0, $0x1;
	s7 =	simm.s32 $0x1;
	[dreg:$0x2] =	wrdreg s26  }
0xd: {  	[dreg:$0x3] =	wrdreg s0;
	s26 =	simm.s32 $0x4680;
	s0 =	simm.s32 $0x580  }
.LBB2_1:
0xe: {  	[dreg:$0x4] =	wrdreg s11;
	s8 =	simm.s32 $0x0;
	s12 =	simm.s32 $0x6E80  }
0xf: {  	s11 =	simm.s32 $0x0;
	s13 =	simm.s32 $0x0;
	_ =	strace $0x80000048  }
0x10: {  	s14 =	simm.s32 $0x1;
	s15 =	simm.s32 $0x0;
	s20 =	rddreg [dreg:$0x2]  }
0x11: {  	[tilespmem:s12], [sflag:$0x2] =	stream.linear.gather [hbm4b:s20+s8], $0x800, $0x200038;
	[tilespmem:$0x14E80] =	vst v63  }
0x12: {  	s8 =	simm.s32 $0x0;
	s12 =	simm.s32 $0x0;
	_ =	strace $0x90000048  }
.LBB2_2:
0x13: {  	s16 =	smov.u32 s8;
	s8 =	sadd.s32 $0x1, s8  }
0x14: {  	p0 =	seq.s32 s8, $0x8  }
0x15: {  	s8 =	simm.s32 @p0 $0x0  }
0x16: {  	p6 =	sne.s32 s15, $0x7;
	p1 =	sne.s32 s16, s8  }
0x17: {  	p0 =	por !p6, !p1  }
0x18: {  	p0 =	por !p0, !p0  }
0x19: {  	s18 =	sadd.s32 @p0 s6, s8  }
0x1a: {  	s17 =	sand.u32 @p0 $0x1, s14;
	_ =	strace @p0 $0x80000049;
	s18 =	sshll.u32 @p0 s18, $0x8  }
0x1b: {  	s20 =	simm.s32 @p0 $0x0;
	s19 =	sshll.u32 @p0 s17, $0xB;
	s18 =	sand.u32 @p0 $0x1FFFFF00, s18  }
0x1c: {  	s17 =	sor.u32 @p0 $0x2, s17;
	s19 =	sadd.s32 @p0 $0x6E80, s19;
	s18 =	sadd.s32 @p0 s4, s18  }
0x1d: {  	[tilespmem:s19], [sflag:s17] =	stream.linear.gather @p0 [hbm4b:s18+s20], $0x800, $0x200038;
	[tilespmem:$0x14E80] =	vst v63  }
0x1e: {  	s19 =	sand.u32 $0x1, s13;
	_ =	strace @p0 $0x90000049  }
0x1f: {  	s17 =	sor.u32 $0x2, s19;
	_ =	strace $0x8000004A  }
0x20: {  	_ =	swait.ge [sflag:s17], $0x800  }
0x21: {  	[sflag:s17] =	ssyncset.done $0x0  }
0x22: {  	s20 =	sshll.u32 s13, $0xB;
	[sflag:s17] =	ssyncadd.s32 $0xFFFFF800  }
0x23: {  	s17 =	sand.u32 $0x800, s20;
	_ =	strace $0x9000004A  }
0x24: {  	s17 =	sadd.s32 $0x6E80, s17;
	_ =	strace $0x8000004B  }
0x25: {  	s16 =	sadd.s32 s6, s16;
	s18 =	simm.s32 $0x0;
	s19 =	simm.s32 $0x68;
	v0 =	vld [tilespmem:s17+$0x0]  }
.LBB2_3:
0x26: {  	p2 =	sne.s32 s19, $0x1998;
	_ =	sdelay $0x2  }
0x27: {  	s20 =	sshra.s32 s18, $0x2;
	s18 =	smov.u32 s19  }
0x28: {  	[tilespmem:s20+$0x0] =	vst v0  }
0x29: {  	v0 =	vld [tilespmem:s17+$0xA];
	_ =	sdelay $0x1  }
.Ltmp0:
0x2a: {  	(pc) =	sbr.rel @p2 .LBB2_3-.Ltmp0, $3  }
0x2b: {  	_ =	sdelay $0x1  }
0x2c: {  	s17 =	sadd.s32 $0x20, s17;
	[tilespmem:s20+$0xA] =	vst v0  }
0x2d: {  	s19 =	sadd.s32 $0x68, s19;
	v0 =	vld [tilespmem:s17+$0x0]  }
0x2e: {  	_ =	sdelay $0x2  }
0x2f: {  	s18 =	sshra.s32 s18, $0x2  }
0x30: {  	[tilespmem:s18+$0x0] =	vst v0  }
0x31: {  	v0 =	vld [tilespmem:s17+$0xA];
	_ =	sdelay $0x4  }
0x32: {  	s19 =	simm.s32 $0x0;
	s20 =	simm.s32 $0x680;
	[tilespmem:s18+$0xA] =	vst v0  }
0x33: {  	[tilespmem:s20], [sflag:$0x1] =	stream.indirect.gather [hbm4b:s3+s10], $0x10, s19, s10, $0x2000b8;
	[tilespmem:$0x14E80] =	vst v63  }
0x34: {  	s18 =	simm.s32 $0xE80  }
0x35: {  	[tilespmem:s18], [sflag:$0x1] =	stream.indirect.gather [hbm4b:s3+s10], $0x10, s10, s10, $0x2000b8;
	[tilespmem:$0x14E80] =	vst v63  }
0x36: {  	s19 =	simm.s32 $0x100;
	s20 =	simm.s32 $0x1680  }
0x37: {  	[tilespmem:s20], [sflag:$0x1] =	stream.indirect.gather [hbm4b:s3+s10], $0x10, s19, s10, $0x2000b8;
	[tilespmem:$0x14E80] =	vst v63  }
0x38: {  	s19 =	simm.s32 $0x180;
	s20 =	simm.s32 $0x1E80  }
0x39: {  	[tilespmem:s20], [sflag:$0x1] =	stream.indirect.gather [hbm4b:s3+s10], $0x10, s19, s10, $0x2000b8;
	[tilespmem:$0x14E80] =	vst v63  }
0x3a: {  	s19 =	simm.s32 $0x200;
	s20 =	simm.s32 $0x2680  }
0x3b: {  	[tilespmem:s20], [sflag:$0x1] =	stream.indirect.gather [hbm4b:s3+s10], $0x10, s19, s10, $0x2000b8;
	[tilespmem:$0x14E80] =	vst v63  }
0x3c: {  	s18 =	simm.s32 $0x280;
	s19 =	simm.s32 $0x2E80  }
0x3d: {  	[tilespmem:s19], [sflag:$0x1] =	stream.indirect.gather [hbm4b:s3+s10], $0x10, s18, s10, $0x2000b8;
	[tilespmem:$0x14E80] =	vst v63  }
0x3e: {  	_ = 	snop  }
0x3f: {  	[tilespmem:s22], [sflag:$0x1] =	stream.indirect.gather [hbm4b:s3+s10], $0x10, s21, s10, $0x2000b8;
	[tilespmem:$0x14E80] =	vst v63  }
0x40: {  	_ = 	snop  }
0x41: {  	[tilespmem:s24], [sflag:$0x1] =	stream.indirect.gather [hbm4b:s3+s10], $0x10, s23, s10, $0x2000b8;
	[tilespmem:$0x14E80] =	vst v63  }
0x42: {  	_ = 	snop  }
0x43: {  	[tilespmem:s26], [sflag:$0x1] =	stream.indirect.gather [hbm4b:s3+s10], $0x10, s25, s10, $0x2000b8;
	[tilespmem:$0x14E80] =	vst v63  }
0x44: {  	_ = 	snop  }
0x45: {  	[tilespmem:s29], [sflag:$0x1] =	stream.indirect.gather [hbm4b:s3+s10], $0x10, s28, s10, $0x2000b8;
	[tilespmem:$0x14E80] =	vst v63  }
0x46: {  	_ = 	snop  }
0x47: {  	[tilespmem:s31], [sflag:$0x1] =	stream.indirect.gather [hbm4b:s3+s10], $0x10, s30, s10, $0x2000b8;
	[tilespmem:$0x14E80] =	vst v63  }
0x48: {  	_ = 	snop  }
0x49: {  	[tilespmem:s2], [sflag:$0x1] =	stream.indirect.gather [hbm4b:s3+s10], $0x10, s0, s10, $0x2000b8;
	[tilespmem:$0x14E80] =	vst v63  }
0x4a: {  	_ = 	snop  }
0x4b: {  	[tilespmem:s9], [sflag:$0x1] =	stream.indirect.gather [hbm4b:s3+s10], $0x10, s1, s10, $0x2000b8;
	[tilespmem:$0x14E80] =	vst v63  }
0x4c: {  	_ =	swait.ge [sflag:s7], $0x800  }
0x4d: {  	[sflag:s7] =	ssyncset.done $0x0  }
0x4e: {  	[sflag:s7] =	ssyncadd.s32 $0xFFFFF800  }
0x4f: {  	_ =	swait.ge [sflag:s7], $0x800  }
0x50: {  	[sflag:s7] =	ssyncset.done $0x0  }
0x51: {  	[sflag:s7] =	ssyncadd.s32 $0xFFFFF800  }
0x52: {  	_ =	swait.ge [sflag:s7], $0x800  }
0x53: {  	[sflag:s7] =	ssyncset.done $0x0  }
0x54: {  	[sflag:s7] =	ssyncadd.s32 $0xFFFFF800  }
0x55: {  	_ =	swait.ge [sflag:s7], $0x800  }
0x56: {  	[sflag:s7] =	ssyncset.done $0x0  }
0x57: {  	[sflag:s7] =	ssyncadd.s32 $0xFFFFF800  }
0x58: {  	_ =	swait.ge [sflag:s7], $0x800  }
0x59: {  	[sflag:s7] =	ssyncset.done $0x0  }
0x5a: {  	[sflag:s7] =	ssyncadd.s32 $0xFFFFF800  }
0x5b: {  	_ =	swait.ge [sflag:s7], $0x800  }
0x5c: {  	[sflag:s7] =	ssyncset.done $0x0  }
0x5d: {  	[sflag:s7] =	ssyncadd.s32 $0xFFFFF800  }
0x5e: {  	_ =	swait.ge [sflag:s7], $0x800  }
0x5f: {  	[sflag:s7] =	ssyncset.done $0x0  }
0x60: {  	[sflag:s7] =	ssyncadd.s32 $0xFFFFF800  }
0x61: {  	_ =	swait.ge [sflag:s7], $0x800  }
0x62: {  	[sflag:s7] =	ssyncset.done $0x0  }
0x63: {  	[sflag:s7] =	ssyncadd.s32 $0xFFFFF800  }
0x64: {  	_ =	swait.ge [sflag:s7], $0x800  }
0x65: {  	[sflag:s7] =	ssyncset.done $0x0  }
0x66: {  	[sflag:s7] =	ssyncadd.s32 $0xFFFFF800  }
0x67: {  	_ =	swait.ge [sflag:s7], $0x800  }
0x68: {  	[sflag:s7] =	ssyncset.done $0x0  }
0x69: {  	[sflag:s7] =	ssyncadd.s32 $0xFFFFF800  }
0x6a: {  	_ =	swait.ge [sflag:s7], $0x800  }
0x6b: {  	[sflag:s7] =	ssyncset.done $0x0  }
0x6c: {  	[sflag:s7] =	ssyncadd.s32 $0xFFFFF800  }
0x6d: {  	s17 =	sand.u32 $0x1, s12;
	_ =	swait.ge [sflag:s7], $0x800  }
0x6e: {  	s20 =	smul.u32 $0x1A000, s17;
	[sflag:s7] =	ssyncset.done $0x0  }
0x6f: {  	[sflag:s7] =	ssyncadd.s32 $0xFFFFF800  }
0x70: {  	s18 =	sshrl.u32 s20, $0x2;
	_ =	swait.ge [sflag:s7], $0x800  }
0x71: {  	s20 =	simm.s32 $0x680;
	s19 =	sadd.s32 $0x7F50, s18;
	[sflag:s7] =	ssyncset.done $0x0  }
0x72: {  	s18 =	sadd.s32 $0x7E80, s18;
	v0 =	vmov s19;
	s19 =	simm.s32 $0x0;
	[sflag:s7] =	ssyncadd.s32 $0xFFFFF800  }
.LBB2_5:
0x73: {  	p2 =	sne.s32 s20, $0x19980;
	v1 =	vld [tilespmem:s19+$0x680];
	_ =	sdelay $0x4  }
0x74: {  	[tilespmem:v0+s19+$0xFFFFFF30 ss:$0x1] =	vst.idx.msk $0xffff, v1  }
0x75: {  	v1 =	vld [tilespmem:s19+$0x690];
	_ =	sdelay $0x4  }
0x76: {  	[tilespmem:v0+s19+$0xFFFFFF40 ss:$0x1] =	vst.idx.msk $0xffff, v1  }
0x77: {  	v1 =	vld [tilespmem:s19+$0x6A0];
	_ =	sdelay $0x4  }
0x78: {  	[tilespmem:v0+s19+$0xFFFFFF50 ss:$0x1] =	vst.idx.msk $0xffff, v1  }
0x79: {  	v1 =	vld [tilespmem:s19+$0x6B0];
	_ =	sdelay $0x4  }
0x7a: {  	[tilespmem:v0+s19+$0xFFFFFF60 ss:$0x1] =	vst.idx.msk $0xffff, v1  }
0x7b: {  	v1 =	vld [tilespmem:s19+$0x6C0];
	_ =	sdelay $0x4  }
0x7c: {  	[tilespmem:v0+s19+$0xFFFFFF70 ss:$0x1] =	vst.idx.msk $0xffff, v1  }
0x7d: {  	v1 =	vld [tilespmem:s19+$0x6D0];
	_ =	sdelay $0x4  }
0x7e: {  	[tilespmem:v0+s19+$0xFFFFFF80 ss:$0x1] =	vst.idx.msk $0xffff, v1  }
0x7f: {  	v1 =	vld [tilespmem:s19+$0x6E0];
	_ =	sdelay $0x4  }
0x80: {  	[tilespmem:v0+s19+$0xFFFFFF90 ss:$0x1] =	vst.idx.msk $0xffff, v1  }
0x81: {  	v1 =	vld [tilespmem:s19+$0x6F0];
	_ =	sdelay $0x4  }
0x82: {  	[tilespmem:v0+s19+$0xFFFFFFA0 ss:$0x1] =	vst.idx.msk $0xffff, v1  }
0x83: {  	v1 =	vld [tilespmem:s19+$0x700];
	_ =	sdelay $0x4  }
0x84: {  	[tilespmem:v0+s19+$0xFFFFFFB0 ss:$0x1] =	vst.idx.msk $0xffff, v1  }
0x85: {  	v1 =	vld [tilespmem:s19+$0x710];
	_ =	sdelay $0x4  }
0x86: {  	[tilespmem:v0+s19+$0xFFFFFFC0 ss:$0x1] =	vst.idx.msk $0xffff, v1  }
0x87: {  	v1 =	vld [tilespmem:s19+$0x720];
	_ =	sdelay $0x4  }
0x88: {  	[tilespmem:v0+s19+$0xFFFFFFD0 ss:$0x1] =	vst.idx.msk $0xffff, v1  }
0x89: {  	v1 =	vld [tilespmem:s19+$0x730];
	_ =	sdelay $0x4  }
0x8a: {  	[tilespmem:v0+s19+$0xFFFFFFE0 ss:$0x1] =	vst.idx.msk $0xffff, v1  }
0x8b: {  	v1 =	vld [tilespmem:s19+$0x740];
	_ =	sdelay $0x4  }
0x8c: {  	[tilespmem:v0+s19+$0xFFFFFFF0 ss:$0x1] =	vst.idx.msk $0xffff, v1  }
0x8d: {  	v1 =	vld [tilespmem:s19+$0x750];
	_ =	sdelay $0x4  }
0x8e: {  	[tilespmem:v0+s19+$0x0 ss:$0x1] =	vst.idx.msk $0xffff, v1  }
0x8f: {  	v1 =	vld [tilespmem:s19+$0x760];
	_ =	sdelay $0x4  }
0x90: {  	[tilespmem:v0+s19+$0x10 ss:$0x1] =	vst.idx.msk $0xffff, v1  }
0x91: {  	v1 =	vld [tilespmem:s19+$0x770];
	_ =	sdelay $0x4  }
0x92: {  	[tilespmem:v0+s19+$0x20 ss:$0x1] =	vst.idx.msk $0xffff, v1  }
0x93: {  	v1 =	vld [tilespmem:s19+$0x780];
	_ =	sdelay $0x4  }
0x94: {  	[tilespmem:v0+s19+$0x30 ss:$0x1] =	vst.idx.msk $0xffff, v1  }
0x95: {  	v1 =	vld [tilespmem:s19+$0x790];
	_ =	sdelay $0x4  }
0x96: {  	[tilespmem:v0+s19+$0x40 ss:$0x1] =	vst.idx.msk $0xffff, v1  }
0x97: {  	v1 =	vld [tilespmem:s19+$0x7A0];
	_ =	sdelay $0x4  }
0x98: {  	[tilespmem:v0+s19+$0x50 ss:$0x1] =	vst.idx.msk $0xffff, v1  }
0x99: {  	v1 =	vld [tilespmem:s19+$0x7B0];
	_ =	sdelay $0x4  }
0x9a: {  	[tilespmem:v0+s19+$0x60 ss:$0x1] =	vst.idx.msk $0xffff, v1  }
0x9b: {  	v1 =	vld [tilespmem:s19+$0x7C0];
	_ =	sdelay $0x4  }
0x9c: {  	[tilespmem:v0+s19+$0x70 ss:$0x1] =	vst.idx.msk $0xffff, v1  }
0x9d: {  	v1 =	vld [tilespmem:s19+$0x7D0];
	_ =	sdelay $0x4  }
0x9e: {  	[tilespmem:v0+s19+$0x80 ss:$0x1] =	vst.idx.msk $0xffff, v1  }
0x9f: {  	v1 =	vld [tilespmem:s19+$0x7E0];
	_ =	sdelay $0x4  }
0xa0: {  	[tilespmem:v0+s19+$0x90 ss:$0x1] =	vst.idx.msk $0xffff, v1  }
0xa1: {  	v1 =	vld [tilespmem:s19+$0x7F0];
	_ =	sdelay $0x4  }
0xa2: {  	[tilespmem:v0+s19+$0xA0 ss:$0x1] =	vst.idx.msk $0xffff, v1  }
0xa3: {  	v1 =	vld [tilespmem:s19+$0x800];
	_ =	sdelay $0x4  }
0xa4: {  	[tilespmem:v0+s19+$0xB0 ss:$0x1] =	vst.idx.msk $0xffff, v1  }
0xa5: {  	v1 =	vld [tilespmem:s19+$0x810]  }
.Ltmp1:
0xa6: {  	(pc) =	sbr.rel @p2 .LBB2_5-.Ltmp1, $2  }
0xa7: {  	_ =	sdelay $0x2  }
0xa8: {  	[tilespmem:v0+s19+$0xC0 ss:$0x1] =	vst.idx.msk $0xffff, v1;
	s19 =	sshra.s32 s20, $0x2;
	s20 =	sadd.s32 $0x680, s20  }
0xa9: {  	v1 =	vld [tilespmem:s19+$0x680];
	_ =	sdelay $0x4  }
0xaa: {  	[tilespmem:v0+s19+$0xFFFFFF30 ss:$0x1] =	vst.idx.msk $0xffff, v1  }
0xab: {  	v1 =	vld [tilespmem:s19+$0x690];
	_ =	sdelay $0x4  }
0xac: {  	[tilespmem:v0+s19+$0xFFFFFF40 ss:$0x1] =	vst.idx.msk $0xffff, v1  }
0xad: {  	v1 =	vld [tilespmem:s19+$0x6A0];
	_ =	sdelay $0x4  }
0xae: {  	[tilespmem:v0+s19+$0xFFFFFF50 ss:$0x1] =	vst.idx.msk $0xffff, v1  }
0xaf: {  	v1 =	vld [tilespmem:s19+$0x6B0];
	_ =	sdelay $0x4  }
0xb0: {  	[tilespmem:v0+s19+$0xFFFFFF60 ss:$0x1] =	vst.idx.msk $0xffff, v1  }
0xb1: {  	v1 =	vld [tilespmem:s19+$0x6C0];
	_ =	sdelay $0x4  }
0xb2: {  	[tilespmem:v0+s19+$0xFFFFFF70 ss:$0x1] =	vst.idx.msk $0xffff, v1  }
0xb3: {  	v1 =	vld [tilespmem:s19+$0x6D0];
	_ =	sdelay $0x4  }
0xb4: {  	[tilespmem:v0+s19+$0xFFFFFF80 ss:$0x1] =	vst.idx.msk $0xffff, v1  }
0xb5: {  	v1 =	vld [tilespmem:s19+$0x6E0];
	_ =	sdelay $0x4  }
0xb6: {  	[tilespmem:v0+s19+$0xFFFFFF90 ss:$0x1] =	vst.idx.msk $0xffff, v1  }
0xb7: {  	v1 =	vld [tilespmem:s19+$0x6F0];
	_ =	sdelay $0x4  }
0xb8: {  	[tilespmem:v0+s19+$0xFFFFFFA0 ss:$0x1] =	vst.idx.msk $0xffff, v1  }
0xb9: {  	v1 =	vld [tilespmem:s19+$0x700];
	_ =	sdelay $0x4  }
0xba: {  	[tilespmem:v0+s19+$0xFFFFFFB0 ss:$0x1] =	vst.idx.msk $0xffff, v1  }
0xbb: {  	v1 =	vld [tilespmem:s19+$0x710];
	_ =	sdelay $0x4  }
0xbc: {  	[tilespmem:v0+s19+$0xFFFFFFC0 ss:$0x1] =	vst.idx.msk $0xffff, v1  }
0xbd: {  	v1 =	vld [tilespmem:s19+$0x720];
	_ =	sdelay $0x4  }
0xbe: {  	[tilespmem:v0+s19+$0xFFFFFFD0 ss:$0x1] =	vst.idx.msk $0xffff, v1  }
0xbf: {  	v1 =	vld [tilespmem:s19+$0x730];
	_ =	sdelay $0x4  }
0xc0: {  	[tilespmem:v0+s19+$0xFFFFFFE0 ss:$0x1] =	vst.idx.msk $0xffff, v1  }
0xc1: {  	v1 =	vld [tilespmem:s19+$0x740];
	_ =	sdelay $0x4  }
0xc2: {  	[tilespmem:v0+s19+$0xFFFFFFF0 ss:$0x1] =	vst.idx.msk $0xffff, v1  }
0xc3: {  	v1 =	vld [tilespmem:s19+$0x750];
	_ =	sdelay $0x4  }
0xc4: {  	[tilespmem:v0+s19+$0x0 ss:$0x1] =	vst.idx.msk $0xffff, v1  }
0xc5: {  	v1 =	vld [tilespmem:s19+$0x760];
	_ =	sdelay $0x4  }
0xc6: {  	[tilespmem:v0+s19+$0x10 ss:$0x1] =	vst.idx.msk $0xffff, v1  }
0xc7: {  	v1 =	vld [tilespmem:s19+$0x770];
	_ =	sdelay $0x4  }
0xc8: {  	[tilespmem:v0+s19+$0x20 ss:$0x1] =	vst.idx.msk $0xffff, v1  }
0xc9: {  	v1 =	vld [tilespmem:s19+$0x780];
	_ =	sdelay $0x4  }
0xca: {  	[tilespmem:v0+s19+$0x30 ss:$0x1] =	vst.idx.msk $0xffff, v1  }
0xcb: {  	v1 =	vld [tilespmem:s19+$0x790];
	_ =	sdelay $0x4  }
0xcc: {  	[tilespmem:v0+s19+$0x40 ss:$0x1] =	vst.idx.msk $0xffff, v1  }
0xcd: {  	v1 =	vld [tilespmem:s19+$0x7A0];
	_ =	sdelay $0x4  }
0xce: {  	[tilespmem:v0+s19+$0x50 ss:$0x1] =	vst.idx.msk $0xffff, v1  }
0xcf: {  	v1 =	vld [tilespmem:s19+$0x7B0];
	_ =	sdelay $0x4  }
0xd0: {  	[tilespmem:v0+s19+$0x60 ss:$0x1] =	vst.idx.msk $0xffff, v1  }
0xd1: {  	v1 =	vld [tilespmem:s19+$0x7C0];
	_ =	sdelay $0x4  }
0xd2: {  	[tilespmem:v0+s19+$0x70 ss:$0x1] =	vst.idx.msk $0xffff, v1  }
0xd3: {  	v1 =	vld [tilespmem:s19+$0x7D0];
	_ =	sdelay $0x4  }
0xd4: {  	[tilespmem:v0+s19+$0x80 ss:$0x1] =	vst.idx.msk $0xffff, v1  }
0xd5: {  	v1 =	vld [tilespmem:s19+$0x7E0];
	_ =	sdelay $0x4  }
0xd6: {  	[tilespmem:v0+s19+$0x90 ss:$0x1] =	vst.idx.msk $0xffff, v1  }
0xd7: {  	v1 =	vld [tilespmem:s19+$0x7F0];
	_ =	sdelay $0x4  }
0xd8: {  	[tilespmem:v0+s19+$0xA0 ss:$0x1] =	vst.idx.msk $0xffff, v1  }
0xd9: {  	v1 =	vld [tilespmem:s19+$0x800];
	_ =	sdelay $0x4  }
0xda: {  	[tilespmem:v0+s19+$0xB0 ss:$0x1] =	vst.idx.msk $0xffff, v1  }
0xdb: {  	v1 =	vld [tilespmem:s19+$0x810];
	_ =	sdelay $0x1  }
0xdc: {  	p2 =	seq.s32 s15, $0x7  }
0xdd: {  	p1 =	por p2, p1  }
0xde: {  	s16 =	smul.u32 @p1 $0x6800, s16  }
0xdf: {  	[tilespmem:v0+s19+$0xC0 ss:$0x1] =	vst.idx.msk $0xffff, v1  }
0xe0: {  	s17 =	sor.u32 @p1 $0x4, s17;
	s16 =	sshrl.u32 @p1 s16, $0x3;
	_ =	strace $0x9000004B  }
0xe1: {  	s16 =	sadd.s32 @p1 s5, s16;
	s19 =	simm.s32 @p1 $0x0;
	_ =	strace @p1 $0x8000004C  }
0xe2: {  	[hbm4b:s16+s19] =	stream.linear.scatter @p1 [tilespmem:s18], [sflag:s17], $0x6800, $0x200038;
	[tilespmem:$0x14E80] =	vst v63  }
0xe3: {  	s16 =	simm.s32 $0x1  }
0xe4: {  	s18 =	simm.s32 $0x1;
	s16 =	simm.s32 @!p0 $0x0;
	p0 =	seq.s32 s15, $0x0  }
0xe5: {  	_ =	strace @p1 $0x9000004C;
	s14 =	sadd.s32 s16, s14;
	s16 =	simm.s32 $0x1  }
0xe6: {  	s16 =	simm.s32 @!p1 $0x0;
	p1 =	sne.s32 s15, $0x0;
	s15 =	sadd.s32 $0x1, s15  }
0xe7: {  	s17 =	sand.u32 @!p0 $0x1, s11;
	s18 =	simm.s32 @!p1 $0x0;
	p1 =	sne.s32 s15, $0x8  }
.Ltmp2:
0xe8: {  	_ =	strace @!p0 $0x8000004D;
	s17 =	sor.u32 @!p0 $0x4, s17;
	(pc) =	sbr.rel @p1 .LBB2_2-.Ltmp2, $4  }
0xe9: {  	_ =	swait.ge @!p0 [sflag:s17], $0x6800  }
0xea: {  	[sflag:s17] =	ssyncset.done @!p0 $0x0  }
0xeb: {  	s12 =	sadd.s32 s16, s12;
	[sflag:s17] =	ssyncadd.s32 @!p0 $0xFFFF9800  }
0xec: {  	s13 =	sadd.s32 s16, s13;
	s11 =	sadd.s32 s18, s11;
	_ =	strace @!p0 $0x9000004D  }
0xed: {  	_ =	strace $0x8000004E;
	s8 =	simm.s32 $0x5  }
0xee: {  	_ =	swait.ge [sflag:s8], $0x6800  }
0xef: {  	s11 =	rddreg [dreg:$0x4]  }
0xf0: {  	s20 =	rddreg [dreg:$0x3];
	s11 =	sadd.s32 $0x1, s11  }
0xf1: {  	p0 =	sne.s32 s11, s20  }
.Ltmp3:
0xf2: {  	_ = 	snop;
	(pc) =	sbr.rel @p0 .LBB2_1-.Ltmp3, $4  }
0xf3: {  	_ = 	snop  }
0xf4: {  	[sflag:s8] =	ssyncset.done $0x0  }
0xf5: {  	[sflag:s8] =	ssyncadd.s32 $0xFFFF9800  }
0xf6: {  	_ =	strace $0x9000004E  }
0xf7: {  	_ =	sfence.sel $0x180000  }
0xf8: {  	[bflag:$0x0] =	sbarrier.arrive $0xFFFF  }
0xf9: {  	_ =	strace $0x90000047  }
0xfa: {  	s0 =	stileid.u32;
	[bflag:$0x2] =	sbarrier.arrive $0xFFFF  }
0xfb: {  	p0 =	sne.s32 s0, $0x0;
	s0 =	rddreg [dreg:$0x1]  }
0xfc: {  	s0 =	sadd.s32 @!p0 $0x100000, s0  }
0xfd: {  	[sflag:s0] =	ssyncadd.tile.s32 @!p0 $0x1;
	_ =	shalt  }
.Lfunc_end2:
_tile_overlayer_lowered:
.L_overlay_start_2:
0xfe: {  	(tag) =	ssettag $0x2  }
0xff: {  	s0 =	rddreg [dreg:$0x0];
	s2 =	stileid.u32  }
0x100: {  	s1 =	rddreg [dreg:$0x1];
	p0 =	sne.s32 s2, $0x0  }
0x101: {  	s3 =	rddreg [dreg:$0x2];
	[bflag:$0x3] =	sbarrier.arrive $0xFFFF;
	s2 =	simm.s32 @!p0 $0x1C02  }
0x102: {  	[timem:s3], [sflag:s2] =	dma.local @!p0 [hbm:s0], s1  }
0x103: {  	s0 =	simm.s32 @!p0 $0x2  }
0x104: {  	_ =	swait.ge @!p0 [sflag:s0], s1  }
0x105: {  	s1 =	ssub.s32 @!p0 $0x0, s1;
	[sflag:s0] =	ssyncset.done @!p0 $0x0  }
0x106: {  	[sflag:s0] =	ssyncadd.s32 @!p0 s1  }
0x107: {  	[bflag:$0x3] =	sbarrier.arrive $0xFFFF  }
0x108: {  	_ =	shalt  }

</sc_bundles>
